<compile_context>
chip_gen: v7x
topology: tpu7x:2x2x1
jax: 0.10.2.dev20260603
libtpu: 0.0.44.dev20260713+nightly
codegen_flags: <defaults>
</compile_context>

<pallas_src>
import functools

import jax
import jax.numpy as jnp
from jax import lax
from jax.experimental import pallas as pl
from jax.experimental.pallas import tpu as pltpu
from jax.experimental.pallas import tpu_sc as plsc

Q = 4096
N = 8192
K = 10
R2 = 0.25 * 0.25
BQ = 128
KPAD = 16
PAD_ROW = N
TROWS = N + 8

SC_CORES = 2
SC_SUBCORES = 16
NW = SC_CORES * SC_SUBCORES
B_TOTAL = Q * K
B_PER_W = B_TOTAL // NW
CHUNK = 128
NCHUNK = B_PER_W // CHUNK


def _topk_body(q_ref, rt_ref, map_ref, gidx_ref):
    q = q_ref[...]
    rt = rt_ref[...]
    qb = q.astype(jnp.bfloat16)
    rb = rt.astype(jnp.bfloat16)
    cross2 = jnp.dot(qb + qb, rb, preferred_element_type=jnp.float32)
    qn = ((q[:, 0:1] * q[:, 0:1] + q[:, 1:2] * q[:, 1:2])
          + q[:, 2:3] * q[:, 2:3])
    rn = ((rt[0:1, :] * rt[0:1, :] + rt[1:2, :] * rt[1:2, :])
          + rt[2:3, :] * rt[2:3, :])
    d2 = (qn + rn) - cross2
    d2 = jnp.maximum(d2, 0.0)
    pos_inf = jnp.float32(jnp.inf)
    score = jnp.where(d2 <= R2, d2, pos_inf)
    iota = lax.broadcasted_iota(jnp.int32, score.shape, 1)

    def direct(v, i, k):
        cands = []
        for _ in range(k):
            m = jnp.min(v, axis=1, keepdims=True)
            ci = jnp.min(jnp.where(v == m, i, N), axis=1)
            cands.append((m[:, 0], ci))
            v = jnp.where(i == ci[:, None], pos_inf, v)
        return cands

    def extract(v, i, k, top):
        if k == 0:
            return []
        h = v.shape[1] // 2
        if k == 1 or h < 1024:
            return direct(v, i, k)
        a, b = v[:, :h], v[:, h:]
        ia, ib = i[:, :h], i[:, h:]
        if top:
            better = b < a
        else:
            better = (b < a) | ((b == a) & (ib < ia))
        w = jnp.where(better, b, a)
        iw = jnp.where(better, ib, ia)
        l = jnp.where(better, a, b)
        il = jnp.where(better, ia, ib)
        return (extract(w, iw, k, False)
                + extract(l, il, k // 2, False))

    cands = extract(score, iota, K, True)
    cv = jnp.stack([c[0] for c in cands], axis=1)
    ci_all = jnp.stack([c[1] for c in cands], axis=1)
    for k in range(K):
        m = jnp.min(cv, axis=1, keepdims=True)
        ci = jnp.min(jnp.where(cv == m, ci_all, N), axis=1)
        valid = m[:, 0] < pos_inf
        map_ref[k, :] = jnp.where(valid, ci, 0)
        gidx_ref[k, :] = jnp.where(valid, ci, PAD_ROW)
        cv = jnp.where(ci_all == ci[:, None], pos_inf, cv)


def _topk_tc(qpad, rt):
    grid = (Q // BQ,)
    return pl.pallas_call(
        _topk_body,
        grid=grid,
        in_specs=[
            pl.BlockSpec((BQ, 8), lambda i: (i, 0)),
            pl.BlockSpec((8, N), lambda i: (0, 0)),
        ],
        out_specs=[
            pl.BlockSpec((KPAD, BQ), lambda i: (0, i)),
            pl.BlockSpec((KPAD, BQ), lambda i: (0, i)),
        ],
        out_shape=[
            jax.ShapeDtypeStruct((KPAD, Q), jnp.int32),
            jax.ShapeDtypeStruct((KPAD, Q), jnp.int32),
        ],
        compiler_params=pltpu.CompilerParams(
            dimension_semantics=("arbitrary",),
        ),
    )(qpad, rt)


def _gather_body(table_hbm, idx_hbm, out_hbm, idx_v, rows_v, sem):
    wid = lax.axis_index("s") * SC_CORES + lax.axis_index("c")
    base = wid * B_PER_W
    pltpu.sync_copy(idx_hbm.at[wid], idx_v)
    for j in range(NCHUNK):
        pltpu.async_copy(
            table_hbm.at[idx_v.at[j]],
            rows_v.at[pl.ds(j * CHUNK, CHUNK)],
            sem,
        ).wait()
    pltpu.sync_copy(rows_v, out_hbm.at[pl.ds(base, B_PER_W)])


@functools.lru_cache(maxsize=1)
def _gather_sc():
    return pl.kernel(
        _gather_body,
        out_type=jax.ShapeDtypeStruct((B_TOTAL, 16), jnp.float32),
        mesh=plsc.VectorSubcoreMesh(
            core_axis_name="c", subcore_axis_name="s",
            num_cores=SC_CORES, num_subcores=SC_SUBCORES,
        ),
        scratch_types=[
            pltpu.VMEM((NCHUNK, CHUNK), jnp.int32),
            pltpu.VMEM((B_PER_W, 16), jnp.float32),
            pltpu.SemaphoreType.DMA,
        ],
        compiler_params=pltpu.CompilerParams(use_tc_tiling_on_sc=False),
    )


def kernel(x, p_grid):
    refs = x[0]
    q = jnp.reshape(p_grid, (Q, 3))
    qpad = jnp.pad(q, ((0, 0), (0, 5)))
    rt = jnp.pad(refs, ((0, 0), (0, 5))).T

    map16, gidx16 = _topk_tc(qpad, rt)
    mapping = map16[:K].T
    gidx3d = jnp.reshape(gidx16[:K].T, (NW, NCHUNK, CHUNK))

    table = jnp.zeros((TROWS, 16), jnp.float32).at[:N, :3].set(refs)
    rows = _gather_sc()(table, gidx3d)
    outputs = jnp.reshape(rows[:, :3], (1, Q, K, 3))
    return jnp.reshape(mapping, (1, Q, K)), outputs

# --- scband reference (transcript-rebuilt; emitter-appended) ---
"""Pipeline reference for scband-bqwarp-62732292325639 (READ-ONLY COPY).

The authoritative reference and input builder live on the scoring server;
editing this copy changes nothing except your own understanding.
"""

import jax, jax.numpy as jnp
import numpy as np

GRID_RESOLUTION = [32, 16, 8]
RADIUS = 0.25
K = 10


def setup_inputs(seed: int = 0) -> dict:
    key = jax.random.key(seed)
    k1, k2 = jax.random.split(key)
    x = jax.random.uniform(k1, (1, 8192, 3), dtype=jnp.float32)
    p_grid = jax.random.uniform(k2, (1, 32, 16, 8, 3), dtype=jnp.float32)
    return {"x": x, "p_grid": p_grid}


def _ball_query(queries, refs, radius, k):
    # queries: (B, Q, 3), refs: (B, N, 3)
    qn = jnp.sum(queries * queries, axis=-1)  # (B, Q)
    rn = jnp.sum(refs * refs, axis=-1)        # (B, N)
    cross = jnp.einsum('bqd,bnd->bqn', queries, refs)
    d2 = qn[:, :, None] + rn[:, None, :] - 2.0 * cross  # (B, Q, N)
    d2 = jnp.maximum(d2, 0.0)
    within = d2 <= (radius * radius)
    score = jnp.where(within, -d2, -jnp.inf)
    top_scores, top_idx = jax.lax.top_k(score, k)  # (B, Q, K)
    valid = jnp.isfinite(top_scores)
    mapping = jnp.where(valid, top_idx, 0).astype(jnp.int32)
    num_neighbors = jnp.sum(within, axis=-1).astype(jnp.int32)  # (B, Q)
    gathered = jax.vmap(lambda r, m: r[m])(refs, mapping)  # (B, Q, K, 3)
    outputs = jnp.where(valid[..., None], gathered, 0.0)
    return mapping, num_neighbors, outputs


def reference(x, p_grid):
    # Faithful translation of BQWarp.forward with reverse_mapping=True:
    # mapping, num_neighbors, outputs = ball_query_layer(p_grid, x)
    batch_size = x.shape[0]
    nx, ny, nz = GRID_RESOLUTION
    p_grid_flat = jnp.reshape(p_grid, (batch_size, nx * ny * nz, 3))
    queries = p_grid_flat           # grid points are the queries
    refs = x[..., :3]               # point-cloud coordinates
    mapping, num_neighbors, outputs = _ball_query(queries, refs, RADIUS, K)
    return mapping, outputs

if __name__ == "__main__":
    import jax
    _d = setup_inputs()
    print(jax.jit(kernel)(*tuple(_d.values())))

</pallas_src>

<mosaic_0001>
#map = affine_map<(d0, d1) -> (0, 0)>
#map1 = affine_map<(d0, d1) -> (0, 0, 0)>
module attributes {stable_mosaic.version = 14 : i64} {
  func.func @_gather_body(%arg0: i32, %arg1: i32, %arg2: memref<8200x16xf32, #tpu.memory_space<hbm>>, %arg3: memref<32x10x128xi32, #tpu.memory_space<hbm>>, %arg4: memref<40960x16xf32, #tpu.memory_space<hbm>>, %arg5: memref<10x128xi32, #tpu.memory_space<vmem>>, %arg6: memref<1280x16xf32, #tpu.memory_space<vmem>>, %arg7: memref<!tpu.dma_semaphore, #tpu.memory_space<semaphore_mem>>) attributes {dimension_semantics = [#tpu.dimension_semantics<core_parallel>, #tpu.dimension_semantics<subcore_parallel>], iteration_bounds = array<i64: 2, 16>, scalar_prefetch = 0 : i64, scratch_operands = 3 : i64, tpu.core_type = #tpu.core_type<sc_vector_subcore>, window_params = [{transform_indices = #map}, {transform_indices = #map1}, {transform_indices = #map}]} {
    %mul3A = arith.constant 2 : i32
    %mul3A_0 = arith.muli %arg1, %mul3A : i32
    %add3A = arith.addi %mul3A_0, %arg0 : i32
    %mul3A_1 = arith.constant 1280 : i32
    %mul3A_2 = arith.muli %add3A, %mul3A_1 : i32
    "tpu.region"() ({
      %run_scoped3A = tpu.sem_alloc : memref<!tpu.dma_semaphore, #tpu.memory_space<semaphore_mem>>
      %dma_start3A_201 = arith.constant 0 : i32
      %dma_start3A_202 = arith.constant 0 : i32
      %dma_start3A_203 = tpu.memref_slice %arg3[%add3A, %dma_start3A_201, %dma_start3A_202] : memref<32x10x128xi32, #tpu.memory_space<hbm>> -> memref<1x10x128xi32, #tpu.memory_space<hbm>>
      %dma_start3A_204 = tpu.memref_squeeze %dma_start3A_203 : memref<1x10x128xi32, #tpu.memory_space<hbm>> -> memref<10x128xi32, #tpu.memory_space<hbm>>
      %dma_start3A_205 = arith.constant 0 : i32
      %dma_start3A_206 = arith.constant 0 : i32
      %dma_start3A_207 = tpu.memref_slice %arg3[%add3A, %dma_start3A_205, %dma_start3A_206] : memref<32x10x128xi32, #tpu.memory_space<hbm>> -> memref<1x10x128xi32, #tpu.memory_space<hbm>>
      %dma_start3A_208 = tpu.memref_squeeze %dma_start3A_207 : memref<1x10x128xi32, #tpu.memory_space<hbm>> -> memref<10x128xi32, #tpu.memory_space<hbm>>
      tpu.enqueue_dma source(%dma_start3A_208 : memref<10x128xi32, #tpu.memory_space<hbm>>) target(%arg5 : memref<10x128xi32, #tpu.memory_space<vmem>>) target_semaphore(%run_scoped3A : memref<!tpu.dma_semaphore, #tpu.memory_space<semaphore_mem>>)
      %dma_wait3A_209 = arith.constant 0 : i32
      %dma_wait3A_210 = arith.constant 0 : i32
      %dma_wait3A_211 = tpu.memref_slice %arg3[%add3A, %dma_wait3A_209, %dma_wait3A_210] : memref<32x10x128xi32, #tpu.memory_space<hbm>> -> memref<1x10x128xi32, #tpu.memory_space<hbm>>
      %dma_wait3A_212 = tpu.memref_squeeze %dma_wait3A_211 : memref<1x10x128xi32, #tpu.memory_space<hbm>> -> memref<10x128xi32, #tpu.memory_space<hbm>>
      %dma_wait3A_213 = arith.constant 0 : i32
      %dma_wait3A_214 = arith.constant 0 : i32
      %dma_wait3A_215 = tpu.memref_slice %arg3[%add3A, %dma_wait3A_213, %dma_wait3A_214] : memref<32x10x128xi32, #tpu.memory_space<hbm>> -> memref<1x10x128xi32, #tpu.memory_space<hbm>>
      %dma_wait3A_216 = tpu.memref_squeeze %dma_wait3A_215 : memref<1x10x128xi32, #tpu.memory_space<hbm>> -> memref<10x128xi32, #tpu.memory_space<hbm>>
      tpu.wait_dma2 semaphore(%run_scoped3A : memref<!tpu.dma_semaphore, #tpu.memory_space<semaphore_mem>>) src(%dma_wait3A_216 : memref<10x128xi32, #tpu.memory_space<hbm>>) dst(%arg5 : memref<10x128xi32, #tpu.memory_space<vmem>>)
      tpu.yield
    }) : () -> ()
    %dma_start3A = arith.constant 0 : i32
    %dma_start3A_3 = arith.constant 0 : i32
    %dma_start3A_4 = arith.constant 0 : i32
    %dma_start3A_5 = tpu.memref_slice %arg6[%dma_start3A_3, %dma_start3A_4] : memref<1280x16xf32, #tpu.memory_space<vmem>> -> memref<128x16xf32, #tpu.memory_space<vmem>>
    %dma_start3A_6 = arith.constant 0 : i32
    %dma_start3A_7 = tpu.memref_slice %arg5[%dma_start3A, %dma_start3A_6] : memref<10x128xi32, #tpu.memory_space<vmem>> -> memref<1x128xi32, #tpu.memory_space<vmem>>
    %dma_start3A_8 = tpu.memref_squeeze %dma_start3A_7 : memref<1x128xi32, #tpu.memory_space<vmem>> -> memref<128xi32, #tpu.memory_space<vmem>>
    %dma_start3A_9 = arith.constant 0 : i32
    %dma_start3A_10 = arith.constant 0 : i32
    %dma_start3A_11 = tpu.memref_slice %arg2[%dma_start3A_9, %dma_start3A_10] : memref<8200x16xf32, #tpu.memory_space<hbm>> -> memref<8200x16xf32, #tpu.memory_space<hbm>>
    tpu.enqueue_indirect_dma source(%dma_start3A_11 : memref<8200x16xf32, #tpu.memory_space<hbm>>) target(%dma_start3A_5 : memref<128x16xf32, #tpu.memory_space<vmem>>) offsets(%dma_start3A_8 : memref<128xi32, #tpu.memory_space<vmem>>) semaphore(%arg7 : memref<!tpu.dma_semaphore, #tpu.memory_space<semaphore_mem>>)
    %dma_wait3A = arith.constant 0 : i32
    %dma_wait3A_12 = arith.constant 0 : i32
    %dma_wait3A_13 = arith.constant 0 : i32
    %dma_wait3A_14 = tpu.memref_slice %arg6[%dma_wait3A_12, %dma_wait3A_13] : memref<1280x16xf32, #tpu.memory_space<vmem>> -> memref<128x16xf32, #tpu.memory_space<vmem>>
    %dma_wait3A_15 = arith.constant 0 : i32
    %dma_wait3A_16 = tpu.memref_slice %arg5[%dma_wait3A, %dma_wait3A_15] : memref<10x128xi32, #tpu.memory_space<vmem>> -> memref<1x128xi32, #tpu.memory_space<vmem>>
    %dma_wait3A_17 = tpu.memref_squeeze %dma_wait3A_16 : memref<1x128xi32, #tpu.memory_space<vmem>> -> memref<128xi32, #tpu.memory_space<vmem>>
    %dma_wait3A_18 = arith.constant 0 : i32
    %dma_wait3A_19 = arith.constant 0 : i32
    %dma_wait3A_20 = tpu.memref_slice %arg2[%dma_wait3A_18, %dma_wait3A_19] : memref<8200x16xf32, #tpu.memory_space<hbm>> -> memref<8200x16xf32, #tpu.memory_space<hbm>>
    tpu.wait_indirect_dma semaphore(%arg7 : memref<!tpu.dma_semaphore, #tpu.memory_space<semaphore_mem>>) src(%dma_wait3A_20 : memref<8200x16xf32, #tpu.memory_space<hbm>>) dst(%dma_wait3A_14 : memref<128x16xf32, #tpu.memory_space<vmem>>)
    %dma_start3A_21 = arith.constant 1 : i32
    %dma_start3A_22 = arith.constant 128 : i32
    %dma_start3A_23 = arith.constant 0 : i32
    %dma_start3A_24 = tpu.memref_slice %arg6[%dma_start3A_22, %dma_start3A_23] : memref<1280x16xf32, #tpu.memory_space<vmem>> -> memref<128x16xf32, #tpu.memory_space<vmem>>
    %dma_start3A_25 = arith.constant 0 : i32
    %dma_start3A_26 = tpu.memref_slice %arg5[%dma_start3A_21, %dma_start3A_25] : memref<10x128xi32, #tpu.memory_space<vmem>> -> memref<1x128xi32, #tpu.memory_space<vmem>>
    %dma_start3A_27 = tpu.memref_squeeze %dma_start3A_26 : memref<1x128xi32, #tpu.memory_space<vmem>> -> memref<128xi32, #tpu.memory_space<vmem>>
    %dma_start3A_28 = arith.constant 0 : i32
    %dma_start3A_29 = arith.constant 0 : i32
    %dma_start3A_30 = tpu.memref_slice %arg2[%dma_start3A_28, %dma_start3A_29] : memref<8200x16xf32, #tpu.memory_space<hbm>> -> memref<8200x16xf32, #tpu.memory_space<hbm>>
    tpu.enqueue_indirect_dma source(%dma_start3A_30 : memref<8200x16xf32, #tpu.memory_space<hbm>>) target(%dma_start3A_24 : memref<128x16xf32, #tpu.memory_space<vmem>>) offsets(%dma_start3A_27 : memref<128xi32, #tpu.memory_space<vmem>>) semaphore(%arg7 : memref<!tpu.dma_semaphore, #tpu.memory_space<semaphore_mem>>)
    %dma_wait3A_31 = arith.constant 1 : i32
    %dma_wait3A_32 = arith.constant 128 : i32
    %dma_wait3A_33 = arith.constant 0 : i32
    %dma_wait3A_34 = tpu.memref_slice %arg6[%dma_wait3A_32, %dma_wait3A_33] : memref<1280x16xf32, #tpu.memory_space<vmem>> -> memref<128x16xf32, #tpu.memory_space<vmem>>
    %dma_wait3A_35 = arith.constant 0 : i32
    %dma_wait3A_36 = tpu.memref_slice %arg5[%dma_wait3A_31, %dma_wait3A_35] : memref<10x128xi32, #tpu.memory_space<vmem>> -> memref<1x128xi32, #tpu.memory_space<vmem>>
    %dma_wait3A_37 = tpu.memref_squeeze %dma_wait3A_36 : memref<1x128xi32, #tpu.memory_space<vmem>> -> memref<128xi32, #tpu.memory_space<vmem>>
    %dma_wait3A_38 = arith.constant 0 : i32
    %dma_wait3A_39 = arith.constant 0 : i32
    %dma_wait3A_40 = tpu.memref_slice %arg2[%dma_wait3A_38, %dma_wait3A_39] : memref<8200x16xf32, #tpu.memory_space<hbm>> -> memref<8200x16xf32, #tpu.memory_space<hbm>>
    tpu.wait_indirect_dma semaphore(%arg7 : memref<!tpu.dma_semaphore, #tpu.memory_space<semaphore_mem>>) src(%dma_wait3A_40 : memref<8200x16xf32, #tpu.memory_space<hbm>>) dst(%dma_wait3A_34 : memref<128x16xf32, #tpu.memory_space<vmem>>)
    %dma_start3A_41 = arith.constant 2 : i32
    %dma_start3A_42 = arith.constant 256 : i32
    %dma_start3A_43 = arith.constant 0 : i32
    %dma_start3A_44 = tpu.memref_slice %arg6[%dma_start3A_42, %dma_start3A_43] : memref<1280x16xf32, #tpu.memory_space<vmem>> -> memref<128x16xf32, #tpu.memory_space<vmem>>
    %dma_start3A_45 = arith.constant 0 : i32
    %dma_start3A_46 = tpu.memref_slice %arg5[%dma_start3A_41, %dma_start3A_45] : memref<10x128xi32, #tpu.memory_space<vmem>> -> memref<1x128xi32, #tpu.memory_space<vmem>>
    %dma_start3A_47 = tpu.memref_squeeze %dma_start3A_46 : memref<1x128xi32, #tpu.memory_space<vmem>> -> memref<128xi32, #tpu.memory_space<vmem>>
    %dma_start3A_48 = arith.constant 0 : i32
    %dma_start3A_49 = arith.constant 0 : i32
    %dma_start3A_50 = tpu.memref_slice %arg2[%dma_start3A_48, %dma_start3A_49] : memref<8200x16xf32, #tpu.memory_space<hbm>> -> memref<8200x16xf32, #tpu.memory_space<hbm>>
    tpu.enqueue_indirect_dma source(%dma_start3A_50 : memref<8200x16xf32, #tpu.memory_space<hbm>>) target(%dma_start3A_44 : memref<128x16xf32, #tpu.memory_space<vmem>>) offsets(%dma_start3A_47 : memref<128xi32, #tpu.memory_space<vmem>>) semaphore(%arg7 : memref<!tpu.dma_semaphore, #tpu.memory_space<semaphore_mem>>)
    %dma_wait3A_51 = arith.constant 2 : i32
    %dma_wait3A_52 = arith.constant 256 : i32
    %dma_wait3A_53 = arith.constant 0 : i32
    %dma_wait3A_54 = tpu.memref_slice %arg6[%dma_wait3A_52, %dma_wait3A_53] : memref<1280x16xf32, #tpu.memory_space<vmem>> -> memref<128x16xf32, #tpu.memory_space<vmem>>
    %dma_wait3A_55 = arith.constant 0 : i32
    %dma_wait3A_56 = tpu.memref_slice %arg5[%dma_wait3A_51, %dma_wait3A_55] : memref<10x128xi32, #tpu.memory_space<vmem>> -> memref<1x128xi32, #tpu.memory_space<vmem>>
    %dma_wait3A_57 = tpu.memref_squeeze %dma_wait3A_56 : memref<1x128xi32, #tpu.memory_space<vmem>> -> memref<128xi32, #tpu.memory_space<vmem>>
    %dma_wait3A_58 = arith.constant 0 : i32
    %dma_wait3A_59 = arith.constant 0 : i32
    %dma_wait3A_60 = tpu.memref_slice %arg2[%dma_wait3A_58, %dma_wait3A_59] : memref<8200x16xf32, #tpu.memory_space<hbm>> -> memref<8200x16xf32, #tpu.memory_space<hbm>>
    tpu.wait_indirect_dma semaphore(%arg7 : memref<!tpu.dma_semaphore, #tpu.memory_space<semaphore_mem>>) src(%dma_wait3A_60 : memref<8200x16xf32, #tpu.memory_space<hbm>>) dst(%dma_wait3A_54 : memref<128x16xf32, #tpu.memory_space<vmem>>)
    %dma_start3A_61 = arith.constant 3 : i32
    %dma_start3A_62 = arith.constant 384 : i32
    %dma_start3A_63 = arith.constant 0 : i32
    %dma_start3A_64 = tpu.memref_slice %arg6[%dma_start3A_62, %dma_start3A_63] : memref<1280x16xf32, #tpu.memory_space<vmem>> -> memref<128x16xf32, #tpu.memory_space<vmem>>
    %dma_start3A_65 = arith.constant 0 : i32
    %dma_start3A_66 = tpu.memref_slice %arg5[%dma_start3A_61, %dma_start3A_65] : memref<10x128xi32, #tpu.memory_space<vmem>> -> memref<1x128xi32, #tpu.memory_space<vmem>>
    %dma_start3A_67 = tpu.memref_squeeze %dma_start3A_66 : memref<1x128xi32, #tpu.memory_space<vmem>> -> memref<128xi32, #tpu.memory_space<vmem>>
    %dma_start3A_68 = arith.constant 0 : i32
    %dma_start3A_69 = arith.constant 0 : i32
    %dma_start3A_70 = tpu.memref_slice %arg2[%dma_start3A_68, %dma_start3A_69] : memref<8200x16xf32, #tpu.memory_space<hbm>> -> memref<8200x16xf32, #tpu.memory_space<hbm>>
    tpu.enqueue_indirect_dma source(%dma_start3A_70 : memref<8200x16xf32, #tpu.memory_space<hbm>>) target(%dma_start3A_64 : memref<128x16xf32, #tpu.memory_space<vmem>>) offsets(%dma_start3A_67 : memref<128xi32, #tpu.memory_space<vmem>>) semaphore(%arg7 : memref<!tpu.dma_semaphore, #tpu.memory_space<semaphore_mem>>)
    %dma_wait3A_71 = arith.constant 3 : i32
    %dma_wait3A_72 = arith.constant 384 : i32
    %dma_wait3A_73 = arith.constant 0 : i32
    %dma_wait3A_74 = tpu.memref_slice %arg6[%dma_wait3A_72, %dma_wait3A_73] : memref<1280x16xf32, #tpu.memory_space<vmem>> -> memref<128x16xf32, #tpu.memory_space<vmem>>
    %dma_wait3A_75 = arith.constant 0 : i32
    %dma_wait3A_76 = tpu.memref_slice %arg5[%dma_wait3A_71, %dma_wait3A_75] : memref<10x128xi32, #tpu.memory_space<vmem>> -> memref<1x128xi32, #tpu.memory_space<vmem>>
    %dma_wait3A_77 = tpu.memref_squeeze %dma_wait3A_76 : memref<1x128xi32, #tpu.memory_space<vmem>> -> memref<128xi32, #tpu.memory_space<vmem>>
    %dma_wait3A_78 = arith.constant 0 : i32
    %dma_wait3A_79 = arith.constant 0 : i32
    %dma_wait3A_80 = tpu.memref_slice %arg2[%dma_wait3A_78, %dma_wait3A_79] : memref<8200x16xf32, #tpu.memory_space<hbm>> -> memref<8200x16xf32, #tpu.memory_space<hbm>>
    tpu.wait_indirect_dma semaphore(%arg7 : memref<!tpu.dma_semaphore, #tpu.memory_space<semaphore_mem>>) src(%dma_wait3A_80 : memref<8200x16xf32, #tpu.memory_space<hbm>>) dst(%dma_wait3A_74 : memref<128x16xf32, #tpu.memory_space<vmem>>)
    %dma_start3A_81 = arith.constant 4 : i32
    %dma_start3A_82 = arith.constant 512 : i32
    %dma_start3A_83 = arith.constant 0 : i32
    %dma_start3A_84 = tpu.memref_slice %arg6[%dma_start3A_82, %dma_start3A_83] : memref<1280x16xf32, #tpu.memory_space<vmem>> -> memref<128x16xf32, #tpu.memory_space<vmem>>
    %dma_start3A_85 = arith.constant 0 : i32
    %dma_start3A_86 = tpu.memref_slice %arg5[%dma_start3A_81, %dma_start3A_85] : memref<10x128xi32, #tpu.memory_space<vmem>> -> memref<1x128xi32, #tpu.memory_space<vmem>>
    %dma_start3A_87 = tpu.memref_squeeze %dma_start3A_86 : memref<1x128xi32, #tpu.memory_space<vmem>> -> memref<128xi32, #tpu.memory_space<vmem>>
    %dma_start3A_88 = arith.constant 0 : i32
    %dma_start3A_89 = arith.constant 0 : i32
    %dma_start3A_90 = tpu.memref_slice %arg2[%dma_start3A_88, %dma_start3A_89] : memref<8200x16xf32, #tpu.memory_space<hbm>> -> memref<8200x16xf32, #tpu.memory_space<hbm>>
    tpu.enqueue_indirect_dma source(%dma_start3A_90 : memref<8200x16xf32, #tpu.memory_space<hbm>>) target(%dma_start3A_84 : memref<128x16xf32, #tpu.memory_space<vmem>>) offsets(%dma_start3A_87 : memref<128xi32, #tpu.memory_space<vmem>>) semaphore(%arg7 : memref<!tpu.dma_semaphore, #tpu.memory_space<semaphore_mem>>)
    %dma_wait3A_91 = arith.constant 4 : i32
    %dma_wait3A_92 = arith.constant 512 : i32
    %dma_wait3A_93 = arith.constant 0 : i32
    %dma_wait3A_94 = tpu.memref_slice %arg6[%dma_wait3A_92, %dma_wait3A_93] : memref<1280x16xf32, #tpu.memory_space<vmem>> -> memref<128x16xf32, #tpu.memory_space<vmem>>
    %dma_wait3A_95 = arith.constant 0 : i32
    %dma_wait3A_96 = tpu.memref_slice %arg5[%dma_wait3A_91, %dma_wait3A_95] : memref<10x128xi32, #tpu.memory_space<vmem>> -> memref<1x128xi32, #tpu.memory_space<vmem>>
    %dma_wait3A_97 = tpu.memref_squeeze %dma_wait3A_96 : memref<1x128xi32, #tpu.memory_space<vmem>> -> memref<128xi32, #tpu.memory_space<vmem>>
    %dma_wait3A_98 = arith.constant 0 : i32
    %dma_wait3A_99 = arith.constant 0 : i32
    %dma_wait3A_100 = tpu.memref_slice %arg2[%dma_wait3A_98, %dma_wait3A_99] : memref<8200x16xf32, #tpu.memory_space<hbm>> -> memref<8200x16xf32, #tpu.memory_space<hbm>>
    tpu.wait_indirect_dma semaphore(%arg7 : memref<!tpu.dma_semaphore, #tpu.memory_space<semaphore_mem>>) src(%dma_wait3A_100 : memref<8200x16xf32, #tpu.memory_space<hbm>>) dst(%dma_wait3A_94 : memref<128x16xf32, #tpu.memory_space<vmem>>)
    %dma_start3A_101 = arith.constant 5 : i32
    %dma_start3A_102 = arith.constant 640 : i32
    %dma_start3A_103 = arith.constant 0 : i32
    %dma_start3A_104 = tpu.memref_slice %arg6[%dma_start3A_102, %dma_start3A_103] : memref<1280x16xf32, #tpu.memory_space<vmem>> -> memref<128x16xf32, #tpu.memory_space<vmem>>
    %dma_start3A_105 = arith.constant 0 : i32
    %dma_start3A_106 = tpu.memref_slice %arg5[%dma_start3A_101, %dma_start3A_105] : memref<10x128xi32, #tpu.memory_space<vmem>> -> memref<1x128xi32, #tpu.memory_space<vmem>>
    %dma_start3A_107 = tpu.memref_squeeze %dma_start3A_106 : memref<1x128xi32, #tpu.memory_space<vmem>> -> memref<128xi32, #tpu.memory_space<vmem>>
    %dma_start3A_108 = arith.constant 0 : i32
    %dma_start3A_109 = arith.constant 0 : i32
    %dma_start3A_110 = tpu.memref_slice %arg2[%dma_start3A_108, %dma_start3A_109] : memref<8200x16xf32, #tpu.memory_space<hbm>> -> memref<8200x16xf32, #tpu.memory_space<hbm>>
    tpu.enqueue_indirect_dma source(%dma_start3A_110 : memref<8200x16xf32, #tpu.memory_space<hbm>>) target(%dma_start3A_104 : memref<128x16xf32, #tpu.memory_space<vmem>>) offsets(%dma_start3A_107 : memref<128xi32, #tpu.memory_space<vmem>>) semaphore(%arg7 : memref<!tpu.dma_semaphore, #tpu.memory_space<semaphore_mem>>)
    %dma_wait3A_111 = arith.constant 5 : i32
    %dma_wait3A_112 = arith.constant 640 : i32
    %dma_wait3A_113 = arith.constant 0 : i32
    %dma_wait3A_114 = tpu.memref_slice %arg6[%dma_wait3A_112, %dma_wait3A_113] : memref<1280x16xf32, #tpu.memory_space<vmem>> -> memref<128x16xf32, #tpu.memory_space<vmem>>
    %dma_wait3A_115 = arith.constant 0 : i32
    %dma_wait3A_116 = tpu.memref_slice %arg5[%dma_wait3A_111, %dma_wait3A_115] : memref<10x128xi32, #tpu.memory_space<vmem>> -> memref<1x128xi32, #tpu.memory_space<vmem>>
    %dma_wait3A_117 = tpu.memref_squeeze %dma_wait3A_116 : memref<1x128xi32, #tpu.memory_space<vmem>> -> memref<128xi32, #tpu.memory_space<vmem>>
    %dma_wait3A_118 = arith.constant 0 : i32
    %dma_wait3A_119 = arith.constant 0 : i32
    %dma_wait3A_120 = tpu.memref_slice %arg2[%dma_wait3A_118, %dma_wait3A_119] : memref<8200x16xf32, #tpu.memory_space<hbm>> -> memref<8200x16xf32, #tpu.memory_space<hbm>>
    tpu.wait_indirect_dma semaphore(%arg7 : memref<!tpu.dma_semaphore, #tpu.memory_space<semaphore_mem>>) src(%dma_wait3A_120 : memref<8200x16xf32, #tpu.memory_space<hbm>>) dst(%dma_wait3A_114 : memref<128x16xf32, #tpu.memory_space<vmem>>)
    %dma_start3A_121 = arith.constant 6 : i32
    %dma_start3A_122 = arith.constant 768 : i32
    %dma_start3A_123 = arith.constant 0 : i32
    %dma_start3A_124 = tpu.memref_slice %arg6[%dma_start3A_122, %dma_start3A_123] : memref<1280x16xf32, #tpu.memory_space<vmem>> -> memref<128x16xf32, #tpu.memory_space<vmem>>
    %dma_start3A_125 = arith.constant 0 : i32
    %dma_start3A_126 = tpu.memref_slice %arg5[%dma_start3A_121, %dma_start3A_125] : memref<10x128xi32, #tpu.memory_space<vmem>> -> memref<1x128xi32, #tpu.memory_space<vmem>>
    %dma_start3A_127 = tpu.memref_squeeze %dma_start3A_126 : memref<1x128xi32, #tpu.memory_space<vmem>> -> memref<128xi32, #tpu.memory_space<vmem>>
    %dma_start3A_128 = arith.constant 0 : i32
    %dma_start3A_129 = arith.constant 0 : i32
    %dma_start3A_130 = tpu.memref_slice %arg2[%dma_start3A_128, %dma_start3A_129] : memref<8200x16xf32, #tpu.memory_space<hbm>> -> memref<8200x16xf32, #tpu.memory_space<hbm>>
    tpu.enqueue_indirect_dma source(%dma_start3A_130 : memref<8200x16xf32, #tpu.memory_space<hbm>>) target(%dma_start3A_124 : memref<128x16xf32, #tpu.memory_space<vmem>>) offsets(%dma_start3A_127 : memref<128xi32, #tpu.memory_space<vmem>>) semaphore(%arg7 : memref<!tpu.dma_semaphore, #tpu.memory_space<semaphore_mem>>)
    %dma_wait3A_131 = arith.constant 6 : i32
    %dma_wait3A_132 = arith.constant 768 : i32
    %dma_wait3A_133 = arith.constant 0 : i32
    %dma_wait3A_134 = tpu.memref_slice %arg6[%dma_wait3A_132, %dma_wait3A_133] : memref<1280x16xf32, #tpu.memory_space<vmem>> -> memref<128x16xf32, #tpu.memory_space<vmem>>
    %dma_wait3A_135 = arith.constant 0 : i32
    %dma_wait3A_136 = tpu.memref_slice %arg5[%dma_wait3A_131, %dma_wait3A_135] : memref<10x128xi32, #tpu.memory_space<vmem>> -> memref<1x128xi32, #tpu.memory_space<vmem>>
    %dma_wait3A_137 = tpu.memref_squeeze %dma_wait3A_136 : memref<1x128xi32, #tpu.memory_space<vmem>> -> memref<128xi32, #tpu.memory_space<vmem>>
    %dma_wait3A_138 = arith.constant 0 : i32
    %dma_wait3A_139 = arith.constant 0 : i32
    %dma_wait3A_140 = tpu.memref_slice %arg2[%dma_wait3A_138, %dma_wait3A_139] : memref<8200x16xf32, #tpu.memory_space<hbm>> -> memref<8200x16xf32, #tpu.memory_space<hbm>>
    tpu.wait_indirect_dma semaphore(%arg7 : memref<!tpu.dma_semaphore, #tpu.memory_space<semaphore_mem>>) src(%dma_wait3A_140 : memref<8200x16xf32, #tpu.memory_space<hbm>>) dst(%dma_wait3A_134 : memref<128x16xf32, #tpu.memory_space<vmem>>)
    %dma_start3A_141 = arith.constant 7 : i32
    %dma_start3A_142 = arith.constant 896 : i32
    %dma_start3A_143 = arith.constant 0 : i32
    %dma_start3A_144 = tpu.memref_slice %arg6[%dma_start3A_142, %dma_start3A_143] : memref<1280x16xf32, #tpu.memory_space<vmem>> -> memref<128x16xf32, #tpu.memory_space<vmem>>
    %dma_start3A_145 = arith.constant 0 : i32
    %dma_start3A_146 = tpu.memref_slice %arg5[%dma_start3A_141, %dma_start3A_145] : memref<10x128xi32, #tpu.memory_space<vmem>> -> memref<1x128xi32, #tpu.memory_space<vmem>>
    %dma_start3A_147 = tpu.memref_squeeze %dma_start3A_146 : memref<1x128xi32, #tpu.memory_space<vmem>> -> memref<128xi32, #tpu.memory_space<vmem>>
    %dma_start3A_148 = arith.constant 0 : i32
    %dma_start3A_149 = arith.constant 0 : i32
    %dma_start3A_150 = tpu.memref_slice %arg2[%dma_start3A_148, %dma_start3A_149] : memref<8200x16xf32, #tpu.memory_space<hbm>> -> memref<8200x16xf32, #tpu.memory_space<hbm>>
    tpu.enqueue_indirect_dma source(%dma_start3A_150 : memref<8200x16xf32, #tpu.memory_space<hbm>>) target(%dma_start3A_144 : memref<128x16xf32, #tpu.memory_space<vmem>>) offsets(%dma_start3A_147 : memref<128xi32, #tpu.memory_space<vmem>>) semaphore(%arg7 : memref<!tpu.dma_semaphore, #tpu.memory_space<semaphore_mem>>)
    %dma_wait3A_151 = arith.constant 7 : i32
    %dma_wait3A_152 = arith.constant 896 : i32
    %dma_wait3A_153 = arith.constant 0 : i32
    %dma_wait3A_154 = tpu.memref_slice %arg6[%dma_wait3A_152, %dma_wait3A_153] : memref<1280x16xf32, #tpu.memory_space<vmem>> -> memref<128x16xf32, #tpu.memory_space<vmem>>
    %dma_wait3A_155 = arith.constant 0 : i32
    %dma_wait3A_156 = tpu.memref_slice %arg5[%dma_wait3A_151, %dma_wait3A_155] : memref<10x128xi32, #tpu.memory_space<vmem>> -> memref<1x128xi32, #tpu.memory_space<vmem>>
    %dma_wait3A_157 = tpu.memref_squeeze %dma_wait3A_156 : memref<1x128xi32, #tpu.memory_space<vmem>> -> memref<128xi32, #tpu.memory_space<vmem>>
    %dma_wait3A_158 = arith.constant 0 : i32
    %dma_wait3A_159 = arith.constant 0 : i32
    %dma_wait3A_160 = tpu.memref_slice %arg2[%dma_wait3A_158, %dma_wait3A_159] : memref<8200x16xf32, #tpu.memory_space<hbm>> -> memref<8200x16xf32, #tpu.memory_space<hbm>>
    tpu.wait_indirect_dma semaphore(%arg7 : memref<!tpu.dma_semaphore, #tpu.memory_space<semaphore_mem>>) src(%dma_wait3A_160 : memref<8200x16xf32, #tpu.memory_space<hbm>>) dst(%dma_wait3A_154 : memref<128x16xf32, #tpu.memory_space<vmem>>)
    %dma_start3A_161 = arith.constant 8 : i32
    %dma_start3A_162 = arith.constant 1024 : i32
    %dma_start3A_163 = arith.constant 0 : i32
    %dma_start3A_164 = tpu.memref_slice %arg6[%dma_start3A_162, %dma_start3A_163] : memref<1280x16xf32, #tpu.memory_space<vmem>> -> memref<128x16xf32, #tpu.memory_space<vmem>>
    %dma_start3A_165 = arith.constant 0 : i32
    %dma_start3A_166 = tpu.memref_slice %arg5[%dma_start3A_161, %dma_start3A_165] : memref<10x128xi32, #tpu.memory_space<vmem>> -> memref<1x128xi32, #tpu.memory_space<vmem>>
    %dma_start3A_167 = tpu.memref_squeeze %dma_start3A_166 : memref<1x128xi32, #tpu.memory_space<vmem>> -> memref<128xi32, #tpu.memory_space<vmem>>
    %dma_start3A_168 = arith.constant 0 : i32
    %dma_start3A_169 = arith.constant 0 : i32
    %dma_start3A_170 = tpu.memref_slice %arg2[%dma_start3A_168, %dma_start3A_169] : memref<8200x16xf32, #tpu.memory_space<hbm>> -> memref<8200x16xf32, #tpu.memory_space<hbm>>
    tpu.enqueue_indirect_dma source(%dma_start3A_170 : memref<8200x16xf32, #tpu.memory_space<hbm>>) target(%dma_start3A_164 : memref<128x16xf32, #tpu.memory_space<vmem>>) offsets(%dma_start3A_167 : memref<128xi32, #tpu.memory_space<vmem>>) semaphore(%arg7 : memref<!tpu.dma_semaphore, #tpu.memory_space<semaphore_mem>>)
    %dma_wait3A_171 = arith.constant 8 : i32
    %dma_wait3A_172 = arith.constant 1024 : i32
    %dma_wait3A_173 = arith.constant 0 : i32
    %dma_wait3A_174 = tpu.memref_slice %arg6[%dma_wait3A_172, %dma_wait3A_173] : memref<1280x16xf32, #tpu.memory_space<vmem>> -> memref<128x16xf32, #tpu.memory_space<vmem>>
    %dma_wait3A_175 = arith.constant 0 : i32
    %dma_wait3A_176 = tpu.memref_slice %arg5[%dma_wait3A_171, %dma_wait3A_175] : memref<10x128xi32, #tpu.memory_space<vmem>> -> memref<1x128xi32, #tpu.memory_space<vmem>>
    %dma_wait3A_177 = tpu.memref_squeeze %dma_wait3A_176 : memref<1x128xi32, #tpu.memory_space<vmem>> -> memref<128xi32, #tpu.memory_space<vmem>>
    %dma_wait3A_178 = arith.constant 0 : i32
    %dma_wait3A_179 = arith.constant 0 : i32
    %dma_wait3A_180 = tpu.memref_slice %arg2[%dma_wait3A_178, %dma_wait3A_179] : memref<8200x16xf32, #tpu.memory_space<hbm>> -> memref<8200x16xf32, #tpu.memory_space<hbm>>
    tpu.wait_indirect_dma semaphore(%arg7 : memref<!tpu.dma_semaphore, #tpu.memory_space<semaphore_mem>>) src(%dma_wait3A_180 : memref<8200x16xf32, #tpu.memory_space<hbm>>) dst(%dma_wait3A_174 : memref<128x16xf32, #tpu.memory_space<vmem>>)
    %dma_start3A_181 = arith.constant 9 : i32
    %dma_start3A_182 = arith.constant 1152 : i32
    %dma_start3A_183 = arith.constant 0 : i32
    %dma_start3A_184 = tpu.memref_slice %arg6[%dma_start3A_182, %dma_start3A_183] : memref<1280x16xf32, #tpu.memory_space<vmem>> -> memref<128x16xf32, #tpu.memory_space<vmem>>
    %dma_start3A_185 = arith.constant 0 : i32
    %dma_start3A_186 = tpu.memref_slice %arg5[%dma_start3A_181, %dma_start3A_185] : memref<10x128xi32, #tpu.memory_space<vmem>> -> memref<1x128xi32, #tpu.memory_space<vmem>>
    %dma_start3A_187 = tpu.memref_squeeze %dma_start3A_186 : memref<1x128xi32, #tpu.memory_space<vmem>> -> memref<128xi32, #tpu.memory_space<vmem>>
    %dma_start3A_188 = arith.constant 0 : i32
    %dma_start3A_189 = arith.constant 0 : i32
    %dma_start3A_190 = tpu.memref_slice %arg2[%dma_start3A_188, %dma_start3A_189] : memref<8200x16xf32, #tpu.memory_space<hbm>> -> memref<8200x16xf32, #tpu.memory_space<hbm>>
    tpu.enqueue_indirect_dma source(%dma_start3A_190 : memref<8200x16xf32, #tpu.memory_space<hbm>>) target(%dma_start3A_184 : memref<128x16xf32, #tpu.memory_space<vmem>>) offsets(%dma_start3A_187 : memref<128xi32, #tpu.memory_space<vmem>>) semaphore(%arg7 : memref<!tpu.dma_semaphore, #tpu.memory_space<semaphore_mem>>)
    %dma_wait3A_191 = arith.constant 9 : i32
    %dma_wait3A_192 = arith.constant 1152 : i32
    %dma_wait3A_193 = arith.constant 0 : i32
    %dma_wait3A_194 = tpu.memref_slice %arg6[%dma_wait3A_192, %dma_wait3A_193] : memref<1280x16xf32, #tpu.memory_space<vmem>> -> memref<128x16xf32, #tpu.memory_space<vmem>>
    %dma_wait3A_195 = arith.constant 0 : i32
    %dma_wait3A_196 = tpu.memref_slice %arg5[%dma_wait3A_191, %dma_wait3A_195] : memref<10x128xi32, #tpu.memory_space<vmem>> -> memref<1x128xi32, #tpu.memory_space<vmem>>
    %dma_wait3A_197 = tpu.memref_squeeze %dma_wait3A_196 : memref<1x128xi32, #tpu.memory_space<vmem>> -> memref<128xi32, #tpu.memory_space<vmem>>
    %dma_wait3A_198 = arith.constant 0 : i32
    %dma_wait3A_199 = arith.constant 0 : i32
    %dma_wait3A_200 = tpu.memref_slice %arg2[%dma_wait3A_198, %dma_wait3A_199] : memref<8200x16xf32, #tpu.memory_space<hbm>> -> memref<8200x16xf32, #tpu.memory_space<hbm>>
    tpu.wait_indirect_dma semaphore(%arg7 : memref<!tpu.dma_semaphore, #tpu.memory_space<semaphore_mem>>) src(%dma_wait3A_200 : memref<8200x16xf32, #tpu.memory_space<hbm>>) dst(%dma_wait3A_194 : memref<128x16xf32, #tpu.memory_space<vmem>>)
    "tpu.region"() ({
      %run_scoped3A = tpu.sem_alloc : memref<!tpu.dma_semaphore, #tpu.memory_space<semaphore_mem>>
      %dma_start3A_201 = arith.constant 0 : i32
      %dma_start3A_202 = tpu.memref_slice %arg4[%mul3A_2, %dma_start3A_201] : memref<40960x16xf32, #tpu.memory_space<hbm>> -> memref<1280x16xf32, #tpu.memory_space<hbm>>
      %dma_start3A_203 = arith.constant 0 : i32
      %dma_start3A_204 = tpu.memref_slice %arg4[%mul3A_2, %dma_start3A_203] : memref<40960x16xf32, #tpu.memory_space<hbm>> -> memref<1280x16xf32, #tpu.memory_space<hbm>>
      tpu.enqueue_dma source(%arg6 : memref<1280x16xf32, #tpu.memory_space<vmem>>) target(%dma_start3A_204 : memref<1280x16xf32, #tpu.memory_space<hbm>>) target_semaphore(%run_scoped3A : memref<!tpu.dma_semaphore, #tpu.memory_space<semaphore_mem>>)
      %dma_wait3A_205 = arith.constant 0 : i32
      %dma_wait3A_206 = tpu.memref_slice %arg4[%mul3A_2, %dma_wait3A_205] : memref<40960x16xf32, #tpu.memory_space<hbm>> -> memref<1280x16xf32, #tpu.memory_space<hbm>>
      %dma_wait3A_207 = arith.constant 0 : i32
      %dma_wait3A_208 = tpu.memref_slice %arg4[%mul3A_2, %dma_wait3A_207] : memref<40960x16xf32, #tpu.memory_space<hbm>> -> memref<1280x16xf32, #tpu.memory_space<hbm>>
      tpu.wait_dma2 semaphore(%run_scoped3A : memref<!tpu.dma_semaphore, #tpu.memory_space<semaphore_mem>>) src(%arg6 : memref<1280x16xf32, #tpu.memory_space<vmem>>) dst(%dma_wait3A_208 : memref<1280x16xf32, #tpu.memory_space<hbm>>)
      tpu.yield
    }) : () -> ()
    return
  }
}

module attributes {stable_mosaic.version = 14 : i64} {
  func.func @_topk_body(%arg0: i32, %arg1: memref<128x8xf32, #tpu.memory_space<vmem>>, %arg2: memref<8x8192xf32, #tpu.memory_space<vmem>>, %arg3: memref<16x128xi32, #tpu.memory_space<vmem>>, %arg4: memref<16x128xi32, #tpu.memory_space<vmem>>) attributes {dimension_semantics = [#tpu.dimension_semantics<arbitrary>], iteration_bounds = array<i64: 32>, scalar_prefetch = 0 : i64, scratch_operands = 0 : i64, tpu.core_type = #tpu.core_type<tc>, window_params = [{transform_indices = @transform_0, window_bounds = array<i64: 128, 8>}, {pipeline_mode = #tpu.pipeline_mode<synchronous>, transform_indices = @transform_1, window_bounds = array<i64: 8, 8192>}, {transform_indices = @transform_2, window_bounds = array<i64: 16, 128>}, {transform_indices = @transform_3, window_bounds = array<i64: 16, 128>}]} {
    %get3A = arith.constant 0 : index
    %get3A_0 = arith.constant 0 : index
    %get3A_1 = vector.load %arg1[%get3A, %get3A_0] : memref<128x8xf32, #tpu.memory_space<vmem>>, vector<128x8xf32>
    %get3A_2 = arith.constant 0 : index
    %get3A_3 = arith.constant 0 : index
    %get3A_4 = vector.load %arg2[%get3A_2, %get3A_3] : memref<8x8192xf32, #tpu.memory_space<vmem>>, vector<8x8192xf32>
    %convert_element_type3A = arith.truncf %get3A_1 : vector<128x8xf32> to vector<128x8xbf16>
    %convert_element_type3A_5 = arith.truncf %get3A_4 : vector<8x8192xf32> to vector<8x8192xbf16>
    %add3A = arith.addf %convert_element_type3A, %convert_element_type3A : vector<128x8xbf16>
    %dot_general3A = arith.constant dense<0.000000e+00> : vector<128x8192xf32>
    %dot_general3A_6 = tpu.matmul %add3A, %convert_element_type3A_5, %dot_general3A {dimension_numbers = #tpu.dot_dimension_numbers<[1], [0], [0], [1], [0, 0, 1, 1], [], []>, transpose_lhs_hint = false} : vector<128x8xbf16>, vector<8x8192xbf16>, vector<128x8192xf32> -> vector<128x8192xf32>
    %slice3A = vector.extract_strided_slice %get3A_1 {offsets = [0, 0], sizes = [128, 1], strides = [1, 1]} : vector<128x8xf32> to vector<128x1xf32>
    %slice3A_7 = vector.extract_strided_slice %get3A_1 {offsets = [0, 0], sizes = [128, 1], strides = [1, 1]} : vector<128x8xf32> to vector<128x1xf32>
    %mul3A = arith.mulf %slice3A, %slice3A_7 : vector<128x1xf32>
    %slice3A_8 = vector.extract_strided_slice %get3A_1 {offsets = [0, 1], sizes = [128, 1], strides = [1, 1]} : vector<128x8xf32> to vector<128x1xf32>
    %slice3A_9 = vector.extract_strided_slice %get3A_1 {offsets = [0, 1], sizes = [128, 1], strides = [1, 1]} : vector<128x8xf32> to vector<128x1xf32>
    %mul3A_10 = arith.mulf %slice3A_8, %slice3A_9 : vector<128x1xf32>
    %add3A_11 = arith.addf %mul3A, %mul3A_10 : vector<128x1xf32>
    %slice3A_12 = vector.extract_strided_slice %get3A_1 {offsets = [0, 2], sizes = [128, 1], strides = [1, 1]} : vector<128x8xf32> to vector<128x1xf32>
    %slice3A_13 = vector.extract_strided_slice %get3A_1 {offsets = [0, 2], sizes = [128, 1], strides = [1, 1]} : vector<128x8xf32> to vector<128x1xf32>
    %mul3A_14 = arith.mulf %slice3A_12, %slice3A_13 : vector<128x1xf32>
    %add3A_15 = arith.addf %add3A_11, %mul3A_14 : vector<128x1xf32>
    %slice3A_16 = vector.extract_strided_slice %get3A_4 {offsets = [0, 0], sizes = [1, 8192], strides = [1, 1]} : vector<8x8192xf32> to vector<1x8192xf32>
    %slice3A_17 = vector.extract_strided_slice %get3A_4 {offsets = [0, 0], sizes = [1, 8192], strides = [1, 1]} : vector<8x8192xf32> to vector<1x8192xf32>
    %mul3A_18 = arith.mulf %slice3A_16, %slice3A_17 : vector<1x8192xf32>
    %slice3A_19 = vector.extract_strided_slice %get3A_4 {offsets = [1, 0], sizes = [1, 8192], strides = [1, 1]} : vector<8x8192xf32> to vector<1x8192xf32>
    %slice3A_20 = vector.extract_strided_slice %get3A_4 {offsets = [1, 0], sizes = [1, 8192], strides = [1, 1]} : vector<8x8192xf32> to vector<1x8192xf32>
    %mul3A_21 = arith.mulf %slice3A_19, %slice3A_20 : vector<1x8192xf32>
    %add3A_22 = arith.addf %mul3A_18, %mul3A_21 : vector<1x8192xf32>
    %slice3A_23 = vector.extract_strided_slice %get3A_4 {offsets = [2, 0], sizes = [1, 8192], strides = [1, 1]} : vector<8x8192xf32> to vector<1x8192xf32>
    %slice3A_24 = vector.extract_strided_slice %get3A_4 {offsets = [2, 0], sizes = [1, 8192], strides = [1, 1]} : vector<8x8192xf32> to vector<1x8192xf32>
    %mul3A_25 = arith.mulf %slice3A_23, %slice3A_24 : vector<1x8192xf32>
    %add3A_26 = arith.addf %add3A_22, %mul3A_25 : vector<1x8192xf32>
    %add3A_27 = vector.broadcast %add3A_15 : vector<128x1xf32> to vector<128x8192xf32>
    %add3A_28 = vector.broadcast %add3A_26 : vector<1x8192xf32> to vector<128x8192xf32>
    %add3A_29 = arith.addf %add3A_27, %add3A_28 : vector<128x8192xf32>
    %sub3A = arith.subf %add3A_29, %dot_general3A_6 : vector<128x8192xf32>
    %max3A = arith.constant 0.000000e+00 : f32
    %max3A_30 = vector.broadcast %max3A : f32 to vector<128x8192xf32>
    %max3A_31 = arith.maximumf %sub3A, %max3A_30 : vector<128x8192xf32>
    %le3A = arith.constant 6.250000e-02 : f32
    %le3A_32 = vector.broadcast %le3A : f32 to vector<128x8192xf32>
    %le3A_33 = arith.cmpf ole, %max3A_31, %le3A_32 : vector<128x8192xf32>
    %jit3A = arith.constant 0x7F800000 : f32
    %broadcast_in_dim3A = vector.broadcast %jit3A : f32 to vector<128x8192xf32>
    %select_n3A = arith.select %le3A_33, %max3A_31, %broadcast_in_dim3A : vector<128x8192xi1>, vector<128x8192xf32>
    %iota3A = tpu.iota {dimensions = array<i32: 1>} : vector<128x8192xi32>
    %slice3A_34 = vector.extract_strided_slice %select_n3A {offsets = [0, 0], sizes = [128, 4096], strides = [1, 1]} : vector<128x8192xf32> to vector<128x4096xf32>
    %slice3A_35 = vector.extract_strided_slice %select_n3A {offsets = [0, 4096], sizes = [128, 4096], strides = [1, 1]} : vector<128x8192xf32> to vector<128x4096xf32>
    %slice3A_36 = vector.extract_strided_slice %iota3A {offsets = [0, 0], sizes = [128, 4096], strides = [1, 1]} : vector<128x8192xi32> to vector<128x4096xi32>
    %slice3A_37 = vector.extract_strided_slice %iota3A {offsets = [0, 4096], sizes = [128, 4096], strides = [1, 1]} : vector<128x8192xi32> to vector<128x4096xi32>
    %lt3A = arith.cmpf olt, %slice3A_35, %slice3A_34 : vector<128x4096xf32>
    %select_n3A_38 = arith.select %lt3A, %slice3A_35, %slice3A_34 : vector<128x4096xi1>, vector<128x4096xf32>
    %select_n3A_39 = arith.select %lt3A, %slice3A_37, %slice3A_36 : vector<128x4096xi1>, vector<128x4096xi32>
    %select_n3A_40 = arith.select %lt3A, %slice3A_34, %slice3A_35 : vector<128x4096xi1>, vector<128x4096xf32>
    %select_n3A_41 = arith.select %lt3A, %slice3A_36, %slice3A_37 : vector<128x4096xi1>, vector<128x4096xi32>
    %slice3A_42 = vector.extract_strided_slice %select_n3A_38 {offsets = [0, 0], sizes = [128, 2048], strides = [1, 1]} : vector<128x4096xf32> to vector<128x2048xf32>
    %slice3A_43 = vector.extract_strided_slice %select_n3A_38 {offsets = [0, 2048], sizes = [128, 2048], strides = [1, 1]} : vector<128x4096xf32> to vector<128x2048xf32>
    %slice3A_44 = vector.extract_strided_slice %select_n3A_39 {offsets = [0, 0], sizes = [128, 2048], strides = [1, 1]} : vector<128x4096xi32> to vector<128x2048xi32>
    %slice3A_45 = vector.extract_strided_slice %select_n3A_39 {offsets = [0, 2048], sizes = [128, 2048], strides = [1, 1]} : vector<128x4096xi32> to vector<128x2048xi32>
    %lt3A_46 = arith.cmpf olt, %slice3A_43, %slice3A_42 : vector<128x2048xf32>
    %eq3A = arith.cmpf oeq, %slice3A_43, %slice3A_42 : vector<128x2048xf32>
    %lt3A_47 = arith.cmpi slt, %slice3A_45, %slice3A_44 : vector<128x2048xi32>
    %and3A = arith.andi %eq3A, %lt3A_47 : vector<128x2048xi1>
    %or3A = arith.ori %lt3A_46, %and3A : vector<128x2048xi1>
    %select_n3A_48 = arith.select %or3A, %slice3A_43, %slice3A_42 : vector<128x2048xi1>, vector<128x2048xf32>
    %select_n3A_49 = arith.select %or3A, %slice3A_45, %slice3A_44 : vector<128x2048xi1>, vector<128x2048xi32>
    %select_n3A_50 = arith.select %or3A, %slice3A_42, %slice3A_43 : vector<128x2048xi1>, vector<128x2048xf32>
    %select_n3A_51 = arith.select %or3A, %slice3A_44, %slice3A_45 : vector<128x2048xi1>, vector<128x2048xi32>
    %slice3A_52 = vector.extract_strided_slice %select_n3A_48 {offsets = [0, 0], sizes = [128, 1024], strides = [1, 1]} : vector<128x2048xf32> to vector<128x1024xf32>
    %slice3A_53 = vector.extract_strided_slice %select_n3A_48 {offsets = [0, 1024], sizes = [128, 1024], strides = [1, 1]} : vector<128x2048xf32> to vector<128x1024xf32>
    %slice3A_54 = vector.extract_strided_slice %select_n3A_49 {offsets = [0, 0], sizes = [128, 1024], strides = [1, 1]} : vector<128x2048xi32> to vector<128x1024xi32>
    %slice3A_55 = vector.extract_strided_slice %select_n3A_49 {offsets = [0, 1024], sizes = [128, 1024], strides = [1, 1]} : vector<128x2048xi32> to vector<128x1024xi32>
    %lt3A_56 = arith.cmpf olt, %slice3A_53, %slice3A_52 : vector<128x1024xf32>
    %eq3A_57 = arith.cmpf oeq, %slice3A_53, %slice3A_52 : vector<128x1024xf32>
    %lt3A_58 = arith.cmpi slt, %slice3A_55, %slice3A_54 : vector<128x1024xi32>
    %and3A_59 = arith.andi %eq3A_57, %lt3A_58 : vector<128x1024xi1>
    %or3A_60 = arith.ori %lt3A_56, %and3A_59 : vector<128x1024xi1>
    %select_n3A_61 = arith.select %or3A_60, %slice3A_53, %slice3A_52 : vector<128x1024xi1>, vector<128x1024xf32>
    %select_n3A_62 = arith.select %or3A_60, %slice3A_55, %slice3A_54 : vector<128x1024xi1>, vector<128x1024xi32>
    %select_n3A_63 = arith.select %or3A_60, %slice3A_52, %slice3A_53 : vector<128x1024xi1>, vector<128x1024xf32>
    %select_n3A_64 = arith.select %or3A_60, %slice3A_54, %slice3A_55 : vector<128x1024xi1>, vector<128x1024xi32>
    %reduce_min3A = arith.constant dense<0x7F800000> : vector<128xf32>
    %reduce_min3A_65 = vector.multi_reduction <minimumf>, %select_n3A_61, %reduce_min3A [1] : vector<128x1024xf32> to vector<128xf32>
    %broadcast_in_dim3A_66 = vector.shape_cast %reduce_min3A_65 : vector<128xf32> to vector<128x1xf32>
    %eq3A_67 = vector.broadcast %broadcast_in_dim3A_66 : vector<128x1xf32> to vector<128x1024xf32>
    %eq3A_68 = arith.cmpf oeq, %select_n3A_61, %eq3A_67 : vector<128x1024xf32>
    %jit3A_69 = arith.constant 8192 : i32
    %broadcast_in_dim3A_70 = vector.broadcast %jit3A_69 : i32 to vector<128x1024xi32>
    %select_n3A_71 = arith.select %eq3A_68, %select_n3A_62, %broadcast_in_dim3A_70 : vector<128x1024xi1>, vector<128x1024xi32>
    %reduce_min3A_72 = arith.constant dense<2147483647> : vector<128xi32>
    %reduce_min3A_73 = vector.multi_reduction <minsi>, %select_n3A_71, %reduce_min3A_72 [1] : vector<128x1024xi32> to vector<128xi32>
    %squeeze3A = vector.shape_cast %broadcast_in_dim3A_66 : vector<128x1xf32> to vector<128xf32>
    %broadcast_in_dim3A_74 = vector.shape_cast %reduce_min3A_73 : vector<128xi32> to vector<128x1xi32>
    %eq3A_75 = vector.broadcast %broadcast_in_dim3A_74 : vector<128x1xi32> to vector<128x1024xi32>
    %eq3A_76 = arith.cmpi eq, %select_n3A_62, %eq3A_75 : vector<128x1024xi32>
    %jit3A_77 = arith.constant 0x7F800000 : f32
    %broadcast_in_dim3A_78 = vector.broadcast %jit3A_77 : f32 to vector<128x1024xf32>
    %select_n3A_79 = arith.select %eq3A_76, %broadcast_in_dim3A_78, %select_n3A_61 : vector<128x1024xi1>, vector<128x1024xf32>
    %reduce_min3A_80 = arith.constant dense<0x7F800000> : vector<128xf32>
    %reduce_min3A_81 = vector.multi_reduction <minimumf>, %select_n3A_79, %reduce_min3A_80 [1] : vector<128x1024xf32> to vector<128xf32>
    %broadcast_in_dim3A_82 = vector.shape_cast %reduce_min3A_81 : vector<128xf32> to vector<128x1xf32>
    %eq3A_83 = vector.broadcast %broadcast_in_dim3A_82 : vector<128x1xf32> to vector<128x1024xf32>
    %eq3A_84 = arith.cmpf oeq, %select_n3A_79, %eq3A_83 : vector<128x1024xf32>
    %jit3A_85 = arith.constant 8192 : i32
    %broadcast_in_dim3A_86 = vector.broadcast %jit3A_85 : i32 to vector<128x1024xi32>
    %select_n3A_87 = arith.select %eq3A_84, %select_n3A_62, %broadcast_in_dim3A_86 : vector<128x1024xi1>, vector<128x1024xi32>
    %reduce_min3A_88 = arith.constant dense<2147483647> : vector<128xi32>
    %reduce_min3A_89 = vector.multi_reduction <minsi>, %select_n3A_87, %reduce_min3A_88 [1] : vector<128x1024xi32> to vector<128xi32>
    %squeeze3A_90 = vector.shape_cast %broadcast_in_dim3A_82 : vector<128x1xf32> to vector<128xf32>
    %broadcast_in_dim3A_91 = vector.shape_cast %reduce_min3A_89 : vector<128xi32> to vector<128x1xi32>
    %eq3A_92 = vector.broadcast %broadcast_in_dim3A_91 : vector<128x1xi32> to vector<128x1024xi32>
    %eq3A_93 = arith.cmpi eq, %select_n3A_62, %eq3A_92 : vector<128x1024xi32>
    %jit3A_94 = arith.constant 0x7F800000 : f32
    %broadcast_in_dim3A_95 = vector.broadcast %jit3A_94 : f32 to vector<128x1024xf32>
    %select_n3A_96 = arith.select %eq3A_93, %broadcast_in_dim3A_95, %select_n3A_79 : vector<128x1024xi1>, vector<128x1024xf32>
    %reduce_min3A_97 = arith.constant dense<0x7F800000> : vector<128xf32>
    %reduce_min3A_98 = vector.multi_reduction <minimumf>, %select_n3A_96, %reduce_min3A_97 [1] : vector<128x1024xf32> to vector<128xf32>
    %broadcast_in_dim3A_99 = vector.shape_cast %reduce_min3A_98 : vector<128xf32> to vector<128x1xf32>
    %eq3A_100 = vector.broadcast %broadcast_in_dim3A_99 : vector<128x1xf32> to vector<128x1024xf32>
    %eq3A_101 = arith.cmpf oeq, %select_n3A_96, %eq3A_100 : vector<128x1024xf32>
    %jit3A_102 = arith.constant 8192 : i32
    %broadcast_in_dim3A_103 = vector.broadcast %jit3A_102 : i32 to vector<128x1024xi32>
    %select_n3A_104 = arith.select %eq3A_101, %select_n3A_62, %broadcast_in_dim3A_103 : vector<128x1024xi1>, vector<128x1024xi32>
    %reduce_min3A_105 = arith.constant dense<2147483647> : vector<128xi32>
    %reduce_min3A_106 = vector.multi_reduction <minsi>, %select_n3A_104, %reduce_min3A_105 [1] : vector<128x1024xi32> to vector<128xi32>
    %squeeze3A_107 = vector.shape_cast %broadcast_in_dim3A_99 : vector<128x1xf32> to vector<128xf32>
    %broadcast_in_dim3A_108 = vector.shape_cast %reduce_min3A_106 : vector<128xi32> to vector<128x1xi32>
    %eq3A_109 = vector.broadcast %broadcast_in_dim3A_108 : vector<128x1xi32> to vector<128x1024xi32>
    %eq3A_110 = arith.cmpi eq, %select_n3A_62, %eq3A_109 : vector<128x1024xi32>
    %jit3A_111 = arith.constant 0x7F800000 : f32
    %broadcast_in_dim3A_112 = vector.broadcast %jit3A_111 : f32 to vector<128x1024xf32>
    %select_n3A_113 = arith.select %eq3A_110, %broadcast_in_dim3A_112, %select_n3A_96 : vector<128x1024xi1>, vector<128x1024xf32>
    %reduce_min3A_114 = arith.constant dense<0x7F800000> : vector<128xf32>
    %reduce_min3A_115 = vector.multi_reduction <minimumf>, %select_n3A_113, %reduce_min3A_114 [1] : vector<128x1024xf32> to vector<128xf32>
    %broadcast_in_dim3A_116 = vector.shape_cast %reduce_min3A_115 : vector<128xf32> to vector<128x1xf32>
    %eq3A_117 = vector.broadcast %broadcast_in_dim3A_116 : vector<128x1xf32> to vector<128x1024xf32>
    %eq3A_118 = arith.cmpf oeq, %select_n3A_113, %eq3A_117 : vector<128x1024xf32>
    %jit3A_119 = arith.constant 8192 : i32
    %broadcast_in_dim3A_120 = vector.broadcast %jit3A_119 : i32 to vector<128x1024xi32>
    %select_n3A_121 = arith.select %eq3A_118, %select_n3A_62, %broadcast_in_dim3A_120 : vector<128x1024xi1>, vector<128x1024xi32>
    %reduce_min3A_122 = arith.constant dense<2147483647> : vector<128xi32>
    %reduce_min3A_123 = vector.multi_reduction <minsi>, %select_n3A_121, %reduce_min3A_122 [1] : vector<128x1024xi32> to vector<128xi32>
    %squeeze3A_124 = vector.shape_cast %broadcast_in_dim3A_116 : vector<128x1xf32> to vector<128xf32>
    %broadcast_in_dim3A_125 = vector.shape_cast %reduce_min3A_123 : vector<128xi32> to vector<128x1xi32>
    %eq3A_126 = vector.broadcast %broadcast_in_dim3A_125 : vector<128x1xi32> to vector<128x1024xi32>
    %eq3A_127 = arith.cmpi eq, %select_n3A_62, %eq3A_126 : vector<128x1024xi32>
    %jit3A_128 = arith.constant 0x7F800000 : f32
    %broadcast_in_dim3A_129 = vector.broadcast %jit3A_128 : f32 to vector<128x1024xf32>
    %select_n3A_130 = arith.select %eq3A_127, %broadcast_in_dim3A_129, %select_n3A_113 : vector<128x1024xi1>, vector<128x1024xf32>
    %reduce_min3A_131 = arith.constant dense<0x7F800000> : vector<128xf32>
    %reduce_min3A_132 = vector.multi_reduction <minimumf>, %select_n3A_130, %reduce_min3A_131 [1] : vector<128x1024xf32> to vector<128xf32>
    %broadcast_in_dim3A_133 = vector.shape_cast %reduce_min3A_132 : vector<128xf32> to vector<128x1xf32>
    %eq3A_134 = vector.broadcast %broadcast_in_dim3A_133 : vector<128x1xf32> to vector<128x1024xf32>
    %eq3A_135 = arith.cmpf oeq, %select_n3A_130, %eq3A_134 : vector<128x1024xf32>
    %jit3A_136 = arith.constant 8192 : i32
    %broadcast_in_dim3A_137 = vector.broadcast %jit3A_136 : i32 to vector<128x1024xi32>
    %select_n3A_138 = arith.select %eq3A_135, %select_n3A_62, %broadcast_in_dim3A_137 : vector<128x1024xi1>, vector<128x1024xi32>
    %reduce_min3A_139 = arith.constant dense<2147483647> : vector<128xi32>
    %reduce_min3A_140 = vector.multi_reduction <minsi>, %select_n3A_138, %reduce_min3A_139 [1] : vector<128x1024xi32> to vector<128xi32>
    %squeeze3A_141 = vector.shape_cast %broadcast_in_dim3A_133 : vector<128x1xf32> to vector<128xf32>
    %broadcast_in_dim3A_142 = vector.shape_cast %reduce_min3A_140 : vector<128xi32> to vector<128x1xi32>
    %eq3A_143 = vector.broadcast %broadcast_in_dim3A_142 : vector<128x1xi32> to vector<128x1024xi32>
    %eq3A_144 = arith.cmpi eq, %select_n3A_62, %eq3A_143 : vector<128x1024xi32>
    %jit3A_145 = arith.constant 0x7F800000 : f32
    %broadcast_in_dim3A_146 = vector.broadcast %jit3A_145 : f32 to vector<128x1024xf32>
    %select_n3A_147 = arith.select %eq3A_144, %broadcast_in_dim3A_146, %select_n3A_130 : vector<128x1024xi1>, vector<128x1024xf32>
    %reduce_min3A_148 = arith.constant dense<0x7F800000> : vector<128xf32>
    %reduce_min3A_149 = vector.multi_reduction <minimumf>, %select_n3A_147, %reduce_min3A_148 [1] : vector<128x1024xf32> to vector<128xf32>
    %broadcast_in_dim3A_150 = vector.shape_cast %reduce_min3A_149 : vector<128xf32> to vector<128x1xf32>
    %eq3A_151 = vector.broadcast %broadcast_in_dim3A_150 : vector<128x1xf32> to vector<128x1024xf32>
    %eq3A_152 = arith.cmpf oeq, %select_n3A_147, %eq3A_151 : vector<128x1024xf32>
    %jit3A_153 = arith.constant 8192 : i32
    %broadcast_in_dim3A_154 = vector.broadcast %jit3A_153 : i32 to vector<128x1024xi32>
    %select_n3A_155 = arith.select %eq3A_152, %select_n3A_62, %broadcast_in_dim3A_154 : vector<128x1024xi1>, vector<128x1024xi32>
    %reduce_min3A_156 = arith.constant dense<2147483647> : vector<128xi32>
    %reduce_min3A_157 = vector.multi_reduction <minsi>, %select_n3A_155, %reduce_min3A_156 [1] : vector<128x1024xi32> to vector<128xi32>
    %squeeze3A_158 = vector.shape_cast %broadcast_in_dim3A_150 : vector<128x1xf32> to vector<128xf32>
    %broadcast_in_dim3A_159 = vector.shape_cast %reduce_min3A_157 : vector<128xi32> to vector<128x1xi32>
    %eq3A_160 = vector.broadcast %broadcast_in_dim3A_159 : vector<128x1xi32> to vector<128x1024xi32>
    %eq3A_161 = arith.cmpi eq, %select_n3A_62, %eq3A_160 : vector<128x1024xi32>
    %jit3A_162 = arith.constant 0x7F800000 : f32
    %broadcast_in_dim3A_163 = vector.broadcast %jit3A_162 : f32 to vector<128x1024xf32>
    %select_n3A_164 = arith.select %eq3A_161, %broadcast_in_dim3A_163, %select_n3A_147 : vector<128x1024xi1>, vector<128x1024xf32>
    %reduce_min3A_165 = arith.constant dense<0x7F800000> : vector<128xf32>
    %reduce_min3A_166 = vector.multi_reduction <minimumf>, %select_n3A_164, %reduce_min3A_165 [1] : vector<128x1024xf32> to vector<128xf32>
    %broadcast_in_dim3A_167 = vector.shape_cast %reduce_min3A_166 : vector<128xf32> to vector<128x1xf32>
    %eq3A_168 = vector.broadcast %broadcast_in_dim3A_167 : vector<128x1xf32> to vector<128x1024xf32>
    %eq3A_169 = arith.cmpf oeq, %select_n3A_164, %eq3A_168 : vector<128x1024xf32>
    %jit3A_170 = arith.constant 8192 : i32
    %broadcast_in_dim3A_171 = vector.broadcast %jit3A_170 : i32 to vector<128x1024xi32>
    %select_n3A_172 = arith.select %eq3A_169, %select_n3A_62, %broadcast_in_dim3A_171 : vector<128x1024xi1>, vector<128x1024xi32>
    %reduce_min3A_173 = arith.constant dense<2147483647> : vector<128xi32>
    %reduce_min3A_174 = vector.multi_reduction <minsi>, %select_n3A_172, %reduce_min3A_173 [1] : vector<128x1024xi32> to vector<128xi32>
    %squeeze3A_175 = vector.shape_cast %broadcast_in_dim3A_167 : vector<128x1xf32> to vector<128xf32>
    %broadcast_in_dim3A_176 = vector.shape_cast %reduce_min3A_174 : vector<128xi32> to vector<128x1xi32>
    %eq3A_177 = vector.broadcast %broadcast_in_dim3A_176 : vector<128x1xi32> to vector<128x1024xi32>
    %eq3A_178 = arith.cmpi eq, %select_n3A_62, %eq3A_177 : vector<128x1024xi32>
    %jit3A_179 = arith.constant 0x7F800000 : f32
    %broadcast_in_dim3A_180 = vector.broadcast %jit3A_179 : f32 to vector<128x1024xf32>
    %select_n3A_181 = arith.select %eq3A_178, %broadcast_in_dim3A_180, %select_n3A_164 : vector<128x1024xi1>, vector<128x1024xf32>
    %reduce_min3A_182 = arith.constant dense<0x7F800000> : vector<128xf32>
    %reduce_min3A_183 = vector.multi_reduction <minimumf>, %select_n3A_181, %reduce_min3A_182 [1] : vector<128x1024xf32> to vector<128xf32>
    %broadcast_in_dim3A_184 = vector.shape_cast %reduce_min3A_183 : vector<128xf32> to vector<128x1xf32>
    %eq3A_185 = vector.broadcast %broadcast_in_dim3A_184 : vector<128x1xf32> to vector<128x1024xf32>
    %eq3A_186 = arith.cmpf oeq, %select_n3A_181, %eq3A_185 : vector<128x1024xf32>
    %jit3A_187 = arith.constant 8192 : i32
    %broadcast_in_dim3A_188 = vector.broadcast %jit3A_187 : i32 to vector<128x1024xi32>
    %select_n3A_189 = arith.select %eq3A_186, %select_n3A_62, %broadcast_in_dim3A_188 : vector<128x1024xi1>, vector<128x1024xi32>
    %reduce_min3A_190 = arith.constant dense<2147483647> : vector<128xi32>
    %reduce_min3A_191 = vector.multi_reduction <minsi>, %select_n3A_189, %reduce_min3A_190 [1] : vector<128x1024xi32> to vector<128xi32>
    %squeeze3A_192 = vector.shape_cast %broadcast_in_dim3A_184 : vector<128x1xf32> to vector<128xf32>
    %broadcast_in_dim3A_193 = vector.shape_cast %reduce_min3A_191 : vector<128xi32> to vector<128x1xi32>
    %eq3A_194 = vector.broadcast %broadcast_in_dim3A_193 : vector<128x1xi32> to vector<128x1024xi32>
    %eq3A_195 = arith.cmpi eq, %select_n3A_62, %eq3A_194 : vector<128x1024xi32>
    %jit3A_196 = arith.constant 0x7F800000 : f32
    %broadcast_in_dim3A_197 = vector.broadcast %jit3A_196 : f32 to vector<128x1024xf32>
    %select_n3A_198 = arith.select %eq3A_195, %broadcast_in_dim3A_197, %select_n3A_181 : vector<128x1024xi1>, vector<128x1024xf32>
    %reduce_min3A_199 = arith.constant dense<0x7F800000> : vector<128xf32>
    %reduce_min3A_200 = vector.multi_reduction <minimumf>, %select_n3A_198, %reduce_min3A_199 [1] : vector<128x1024xf32> to vector<128xf32>
    %broadcast_in_dim3A_201 = vector.shape_cast %reduce_min3A_200 : vector<128xf32> to vector<128x1xf32>
    %eq3A_202 = vector.broadcast %broadcast_in_dim3A_201 : vector<128x1xf32> to vector<128x1024xf32>
    %eq3A_203 = arith.cmpf oeq, %select_n3A_198, %eq3A_202 : vector<128x1024xf32>
    %jit3A_204 = arith.constant 8192 : i32
    %broadcast_in_dim3A_205 = vector.broadcast %jit3A_204 : i32 to vector<128x1024xi32>
    %select_n3A_206 = arith.select %eq3A_203, %select_n3A_62, %broadcast_in_dim3A_205 : vector<128x1024xi1>, vector<128x1024xi32>
    %reduce_min3A_207 = arith.constant dense<2147483647> : vector<128xi32>
    %reduce_min3A_208 = vector.multi_reduction <minsi>, %select_n3A_206, %reduce_min3A_207 [1] : vector<128x1024xi32> to vector<128xi32>
    %squeeze3A_209 = vector.shape_cast %broadcast_in_dim3A_201 : vector<128x1xf32> to vector<128xf32>
    %broadcast_in_dim3A_210 = vector.shape_cast %reduce_min3A_208 : vector<128xi32> to vector<128x1xi32>
    %eq3A_211 = vector.broadcast %broadcast_in_dim3A_210 : vector<128x1xi32> to vector<128x1024xi32>
    %eq3A_212 = arith.cmpi eq, %select_n3A_62, %eq3A_211 : vector<128x1024xi32>
    %jit3A_213 = arith.constant 0x7F800000 : f32
    %broadcast_in_dim3A_214 = vector.broadcast %jit3A_213 : f32 to vector<128x1024xf32>
    %select_n3A_215 = arith.select %eq3A_212, %broadcast_in_dim3A_214, %select_n3A_198 : vector<128x1024xi1>, vector<128x1024xf32>
    %reduce_min3A_216 = arith.constant dense<0x7F800000> : vector<128xf32>
    %reduce_min3A_217 = vector.multi_reduction <minimumf>, %select_n3A_215, %reduce_min3A_216 [1] : vector<128x1024xf32> to vector<128xf32>
    %broadcast_in_dim3A_218 = vector.shape_cast %reduce_min3A_217 : vector<128xf32> to vector<128x1xf32>
    %eq3A_219 = vector.broadcast %broadcast_in_dim3A_218 : vector<128x1xf32> to vector<128x1024xf32>
    %eq3A_220 = arith.cmpf oeq, %select_n3A_215, %eq3A_219 : vector<128x1024xf32>
    %jit3A_221 = arith.constant 8192 : i32
    %broadcast_in_dim3A_222 = vector.broadcast %jit3A_221 : i32 to vector<128x1024xi32>
    %select_n3A_223 = arith.select %eq3A_220, %select_n3A_62, %broadcast_in_dim3A_222 : vector<128x1024xi1>, vector<128x1024xi32>
    %reduce_min3A_224 = arith.constant dense<2147483647> : vector<128xi32>
    %reduce_min3A_225 = vector.multi_reduction <minsi>, %select_n3A_223, %reduce_min3A_224 [1] : vector<128x1024xi32> to vector<128xi32>
    %squeeze3A_226 = vector.shape_cast %broadcast_in_dim3A_218 : vector<128x1xf32> to vector<128xf32>
    %reduce_min3A_227 = arith.constant dense<0x7F800000> : vector<128xf32>
    %reduce_min3A_228 = vector.multi_reduction <minimumf>, %select_n3A_63, %reduce_min3A_227 [1] : vector<128x1024xf32> to vector<128xf32>
    %broadcast_in_dim3A_229 = vector.shape_cast %reduce_min3A_228 : vector<128xf32> to vector<128x1xf32>
    %eq3A_230 = vector.broadcast %broadcast_in_dim3A_229 : vector<128x1xf32> to vector<128x1024xf32>
    %eq3A_231 = arith.cmpf oeq, %select_n3A_63, %eq3A_230 : vector<128x1024xf32>
    %jit3A_232 = arith.constant 8192 : i32
    %broadcast_in_dim3A_233 = vector.broadcast %jit3A_232 : i32 to vector<128x1024xi32>
    %select_n3A_234 = arith.select %eq3A_231, %select_n3A_64, %broadcast_in_dim3A_233 : vector<128x1024xi1>, vector<128x1024xi32>
    %reduce_min3A_235 = arith.constant dense<2147483647> : vector<128xi32>
    %reduce_min3A_236 = vector.multi_reduction <minsi>, %select_n3A_234, %reduce_min3A_235 [1] : vector<128x1024xi32> to vector<128xi32>
    %squeeze3A_237 = vector.shape_cast %broadcast_in_dim3A_229 : vector<128x1xf32> to vector<128xf32>
    %broadcast_in_dim3A_238 = vector.shape_cast %reduce_min3A_236 : vector<128xi32> to vector<128x1xi32>
    %eq3A_239 = vector.broadcast %broadcast_in_dim3A_238 : vector<128x1xi32> to vector<128x1024xi32>
    %eq3A_240 = arith.cmpi eq, %select_n3A_64, %eq3A_239 : vector<128x1024xi32>
    %jit3A_241 = arith.constant 0x7F800000 : f32
    %broadcast_in_dim3A_242 = vector.broadcast %jit3A_241 : f32 to vector<128x1024xf32>
    %select_n3A_243 = arith.select %eq3A_240, %broadcast_in_dim3A_242, %select_n3A_63 : vector<128x1024xi1>, vector<128x1024xf32>
    %reduce_min3A_244 = arith.constant dense<0x7F800000> : vector<128xf32>
    %reduce_min3A_245 = vector.multi_reduction <minimumf>, %select_n3A_243, %reduce_min3A_244 [1] : vector<128x1024xf32> to vector<128xf32>
    %broadcast_in_dim3A_246 = vector.shape_cast %reduce_min3A_245 : vector<128xf32> to vector<128x1xf32>
    %eq3A_247 = vector.broadcast %broadcast_in_dim3A_246 : vector<128x1xf32> to vector<128x1024xf32>
    %eq3A_248 = arith.cmpf oeq, %select_n3A_243, %eq3A_247 : vector<128x1024xf32>
    %jit3A_249 = arith.constant 8192 : i32
    %broadcast_in_dim3A_250 = vector.broadcast %jit3A_249 : i32 to vector<128x1024xi32>
    %select_n3A_251 = arith.select %eq3A_248, %select_n3A_64, %broadcast_in_dim3A_250 : vector<128x1024xi1>, vector<128x1024xi32>
    %reduce_min3A_252 = arith.constant dense<2147483647> : vector<128xi32>
    %reduce_min3A_253 = vector.multi_reduction <minsi>, %select_n3A_251, %reduce_min3A_252 [1] : vector<128x1024xi32> to vector<128xi32>
    %squeeze3A_254 = vector.shape_cast %broadcast_in_dim3A_246 : vector<128x1xf32> to vector<128xf32>
    %broadcast_in_dim3A_255 = vector.shape_cast %reduce_min3A_253 : vector<128xi32> to vector<128x1xi32>
    %eq3A_256 = vector.broadcast %broadcast_in_dim3A_255 : vector<128x1xi32> to vector<128x1024xi32>
    %eq3A_257 = arith.cmpi eq, %select_n3A_64, %eq3A_256 : vector<128x1024xi32>
    %jit3A_258 = arith.constant 0x7F800000 : f32
    %broadcast_in_dim3A_259 = vector.broadcast %jit3A_258 : f32 to vector<128x1024xf32>
    %select_n3A_260 = arith.select %eq3A_257, %broadcast_in_dim3A_259, %select_n3A_243 : vector<128x1024xi1>, vector<128x1024xf32>
    %reduce_min3A_261 = arith.constant dense<0x7F800000> : vector<128xf32>
    %reduce_min3A_262 = vector.multi_reduction <minimumf>, %select_n3A_260, %reduce_min3A_261 [1] : vector<128x1024xf32> to vector<128xf32>
    %broadcast_in_dim3A_263 = vector.shape_cast %reduce_min3A_262 : vector<128xf32> to vector<128x1xf32>
    %eq3A_264 = vector.broadcast %broadcast_in_dim3A_263 : vector<128x1xf32> to vector<128x1024xf32>
    %eq3A_265 = arith.cmpf oeq, %select_n3A_260, %eq3A_264 : vector<128x1024xf32>
    %jit3A_266 = arith.constant 8192 : i32
    %broadcast_in_dim3A_267 = vector.broadcast %jit3A_266 : i32 to vector<128x1024xi32>
    %select_n3A_268 = arith.select %eq3A_265, %select_n3A_64, %broadcast_in_dim3A_267 : vector<128x1024xi1>, vector<128x1024xi32>
    %reduce_min3A_269 = arith.constant dense<2147483647> : vector<128xi32>
    %reduce_min3A_270 = vector.multi_reduction <minsi>, %select_n3A_268, %reduce_min3A_269 [1] : vector<128x1024xi32> to vector<128xi32>
    %squeeze3A_271 = vector.shape_cast %broadcast_in_dim3A_263 : vector<128x1xf32> to vector<128xf32>
    %broadcast_in_dim3A_272 = vector.shape_cast %reduce_min3A_270 : vector<128xi32> to vector<128x1xi32>
    %eq3A_273 = vector.broadcast %broadcast_in_dim3A_272 : vector<128x1xi32> to vector<128x1024xi32>
    %eq3A_274 = arith.cmpi eq, %select_n3A_64, %eq3A_273 : vector<128x1024xi32>
    %jit3A_275 = arith.constant 0x7F800000 : f32
    %broadcast_in_dim3A_276 = vector.broadcast %jit3A_275 : f32 to vector<128x1024xf32>
    %select_n3A_277 = arith.select %eq3A_274, %broadcast_in_dim3A_276, %select_n3A_260 : vector<128x1024xi1>, vector<128x1024xf32>
    %reduce_min3A_278 = arith.constant dense<0x7F800000> : vector<128xf32>
    %reduce_min3A_279 = vector.multi_reduction <minimumf>, %select_n3A_277, %reduce_min3A_278 [1] : vector<128x1024xf32> to vector<128xf32>
    %broadcast_in_dim3A_280 = vector.shape_cast %reduce_min3A_279 : vector<128xf32> to vector<128x1xf32>
    %eq3A_281 = vector.broadcast %broadcast_in_dim3A_280 : vector<128x1xf32> to vector<128x1024xf32>
    %eq3A_282 = arith.cmpf oeq, %select_n3A_277, %eq3A_281 : vector<128x1024xf32>
    %jit3A_283 = arith.constant 8192 : i32
    %broadcast_in_dim3A_284 = vector.broadcast %jit3A_283 : i32 to vector<128x1024xi32>
    %select_n3A_285 = arith.select %eq3A_282, %select_n3A_64, %broadcast_in_dim3A_284 : vector<128x1024xi1>, vector<128x1024xi32>
    %reduce_min3A_286 = arith.constant dense<2147483647> : vector<128xi32>
    %reduce_min3A_287 = vector.multi_reduction <minsi>, %select_n3A_285, %reduce_min3A_286 [1] : vector<128x1024xi32> to vector<128xi32>
    %squeeze3A_288 = vector.shape_cast %broadcast_in_dim3A_280 : vector<128x1xf32> to vector<128xf32>
    %broadcast_in_dim3A_289 = vector.shape_cast %reduce_min3A_287 : vector<128xi32> to vector<128x1xi32>
    %eq3A_290 = vector.broadcast %broadcast_in_dim3A_289 : vector<128x1xi32> to vector<128x1024xi32>
    %eq3A_291 = arith.cmpi eq, %select_n3A_64, %eq3A_290 : vector<128x1024xi32>
    %jit3A_292 = arith.constant 0x7F800000 : f32
    %broadcast_in_dim3A_293 = vector.broadcast %jit3A_292 : f32 to vector<128x1024xf32>
    %select_n3A_294 = arith.select %eq3A_291, %broadcast_in_dim3A_293, %select_n3A_277 : vector<128x1024xi1>, vector<128x1024xf32>
    %reduce_min3A_295 = arith.constant dense<0x7F800000> : vector<128xf32>
    %reduce_min3A_296 = vector.multi_reduction <minimumf>, %select_n3A_294, %reduce_min3A_295 [1] : vector<128x1024xf32> to vector<128xf32>
    %broadcast_in_dim3A_297 = vector.shape_cast %reduce_min3A_296 : vector<128xf32> to vector<128x1xf32>
    %eq3A_298 = vector.broadcast %broadcast_in_dim3A_297 : vector<128x1xf32> to vector<128x1024xf32>
    %eq3A_299 = arith.cmpf oeq, %select_n3A_294, %eq3A_298 : vector<128x1024xf32>
    %jit3A_300 = arith.constant 8192 : i32
    %broadcast_in_dim3A_301 = vector.broadcast %jit3A_300 : i32 to vector<128x1024xi32>
    %select_n3A_302 = arith.select %eq3A_299, %select_n3A_64, %broadcast_in_dim3A_301 : vector<128x1024xi1>, vector<128x1024xi32>
    %reduce_min3A_303 = arith.constant dense<2147483647> : vector<128xi32>
    %reduce_min3A_304 = vector.multi_reduction <minsi>, %select_n3A_302, %reduce_min3A_303 [1] : vector<128x1024xi32> to vector<128xi32>
    %squeeze3A_305 = vector.shape_cast %broadcast_in_dim3A_297 : vector<128x1xf32> to vector<128xf32>
    %slice3A_306 = vector.extract_strided_slice %select_n3A_50 {offsets = [0, 0], sizes = [128, 1024], strides = [1, 1]} : vector<128x2048xf32> to vector<128x1024xf32>
    %slice3A_307 = vector.extract_strided_slice %select_n3A_50 {offsets = [0, 1024], sizes = [128, 1024], strides = [1, 1]} : vector<128x2048xf32> to vector<128x1024xf32>
    %slice3A_308 = vector.extract_strided_slice %select_n3A_51 {offsets = [0, 0], sizes = [128, 1024], strides = [1, 1]} : vector<128x2048xi32> to vector<128x1024xi32>
    %slice3A_309 = vector.extract_strided_slice %select_n3A_51 {offsets = [0, 1024], sizes = [128, 1024], strides = [1, 1]} : vector<128x2048xi32> to vector<128x1024xi32>
    %lt3A_310 = arith.cmpf olt, %slice3A_307, %slice3A_306 : vector<128x1024xf32>
    %eq3A_311 = arith.cmpf oeq, %slice3A_307, %slice3A_306 : vector<128x1024xf32>
    %lt3A_312 = arith.cmpi slt, %slice3A_309, %slice3A_308 : vector<128x1024xi32>
    %and3A_313 = arith.andi %eq3A_311, %lt3A_312 : vector<128x1024xi1>
    %or3A_314 = arith.ori %lt3A_310, %and3A_313 : vector<128x1024xi1>
    %select_n3A_315 = arith.select %or3A_314, %slice3A_307, %slice3A_306 : vector<128x1024xi1>, vector<128x1024xf32>
    %select_n3A_316 = arith.select %or3A_314, %slice3A_309, %slice3A_308 : vector<128x1024xi1>, vector<128x1024xi32>
    %select_n3A_317 = arith.select %or3A_314, %slice3A_306, %slice3A_307 : vector<128x1024xi1>, vector<128x1024xf32>
    %select_n3A_318 = arith.select %or3A_314, %slice3A_308, %slice3A_309 : vector<128x1024xi1>, vector<128x1024xi32>
    %reduce_min3A_319 = arith.constant dense<0x7F800000> : vector<128xf32>
    %reduce_min3A_320 = vector.multi_reduction <minimumf>, %select_n3A_315, %reduce_min3A_319 [1] : vector<128x1024xf32> to vector<128xf32>
    %broadcast_in_dim3A_321 = vector.shape_cast %reduce_min3A_320 : vector<128xf32> to vector<128x1xf32>
    %eq3A_322 = vector.broadcast %broadcast_in_dim3A_321 : vector<128x1xf32> to vector<128x1024xf32>
    %eq3A_323 = arith.cmpf oeq, %select_n3A_315, %eq3A_322 : vector<128x1024xf32>
    %jit3A_324 = arith.constant 8192 : i32
    %broadcast_in_dim3A_325 = vector.broadcast %jit3A_324 : i32 to vector<128x1024xi32>
    %select_n3A_326 = arith.select %eq3A_323, %select_n3A_316, %broadcast_in_dim3A_325 : vector<128x1024xi1>, vector<128x1024xi32>
    %reduce_min3A_327 = arith.constant dense<2147483647> : vector<128xi32>
    %reduce_min3A_328 = vector.multi_reduction <minsi>, %select_n3A_326, %reduce_min3A_327 [1] : vector<128x1024xi32> to vector<128xi32>
    %squeeze3A_329 = vector.shape_cast %broadcast_in_dim3A_321 : vector<128x1xf32> to vector<128xf32>
    %broadcast_in_dim3A_330 = vector.shape_cast %reduce_min3A_328 : vector<128xi32> to vector<128x1xi32>
    %eq3A_331 = vector.broadcast %broadcast_in_dim3A_330 : vector<128x1xi32> to vector<128x1024xi32>
    %eq3A_332 = arith.cmpi eq, %select_n3A_316, %eq3A_331 : vector<128x1024xi32>
    %jit3A_333 = arith.constant 0x7F800000 : f32
    %broadcast_in_dim3A_334 = vector.broadcast %jit3A_333 : f32 to vector<128x1024xf32>
    %select_n3A_335 = arith.select %eq3A_332, %broadcast_in_dim3A_334, %select_n3A_315 : vector<128x1024xi1>, vector<128x1024xf32>
    %reduce_min3A_336 = arith.constant dense<0x7F800000> : vector<128xf32>
    %reduce_min3A_337 = vector.multi_reduction <minimumf>, %select_n3A_335, %reduce_min3A_336 [1] : vector<128x1024xf32> to vector<128xf32>
    %broadcast_in_dim3A_338 = vector.shape_cast %reduce_min3A_337 : vector<128xf32> to vector<128x1xf32>
    %eq3A_339 = vector.broadcast %broadcast_in_dim3A_338 : vector<128x1xf32> to vector<128x1024xf32>
    %eq3A_340 = arith.cmpf oeq, %select_n3A_335, %eq3A_339 : vector<128x1024xf32>
    %jit3A_341 = arith.constant 8192 : i32
    %broadcast_in_dim3A_342 = vector.broadcast %jit3A_341 : i32 to vector<128x1024xi32>
    %select_n3A_343 = arith.select %eq3A_340, %select_n3A_316, %broadcast_in_dim3A_342 : vector<128x1024xi1>, vector<128x1024xi32>
    %reduce_min3A_344 = arith.constant dense<2147483647> : vector<128xi32>
    %reduce_min3A_345 = vector.multi_reduction <minsi>, %select_n3A_343, %reduce_min3A_344 [1] : vector<128x1024xi32> to vector<128xi32>
    %squeeze3A_346 = vector.shape_cast %broadcast_in_dim3A_338 : vector<128x1xf32> to vector<128xf32>
    %broadcast_in_dim3A_347 = vector.shape_cast %reduce_min3A_345 : vector<128xi32> to vector<128x1xi32>
    %eq3A_348 = vector.broadcast %broadcast_in_dim3A_347 : vector<128x1xi32> to vector<128x1024xi32>
    %eq3A_349 = arith.cmpi eq, %select_n3A_316, %eq3A_348 : vector<128x1024xi32>
    %jit3A_350 = arith.constant 0x7F800000 : f32
    %broadcast_in_dim3A_351 = vector.broadcast %jit3A_350 : f32 to vector<128x1024xf32>
    %select_n3A_352 = arith.select %eq3A_349, %broadcast_in_dim3A_351, %select_n3A_335 : vector<128x1024xi1>, vector<128x1024xf32>
    %reduce_min3A_353 = arith.constant dense<0x7F800000> : vector<128xf32>
    %reduce_min3A_354 = vector.multi_reduction <minimumf>, %select_n3A_352, %reduce_min3A_353 [1] : vector<128x1024xf32> to vector<128xf32>
    %broadcast_in_dim3A_355 = vector.shape_cast %reduce_min3A_354 : vector<128xf32> to vector<128x1xf32>
    %eq3A_356 = vector.broadcast %broadcast_in_dim3A_355 : vector<128x1xf32> to vector<128x1024xf32>
    %eq3A_357 = arith.cmpf oeq, %select_n3A_352, %eq3A_356 : vector<128x1024xf32>
    %jit3A_358 = arith.constant 8192 : i32
    %broadcast_in_dim3A_359 = vector.broadcast %jit3A_358 : i32 to vector<128x1024xi32>
    %select_n3A_360 = arith.select %eq3A_357, %select_n3A_316, %broadcast_in_dim3A_359 : vector<128x1024xi1>, vector<128x1024xi32>
    %reduce_min3A_361 = arith.constant dense<2147483647> : vector<128xi32>
    %reduce_min3A_362 = vector.multi_reduction <minsi>, %select_n3A_360, %reduce_min3A_361 [1] : vector<128x1024xi32> to vector<128xi32>
    %squeeze3A_363 = vector.shape_cast %broadcast_in_dim3A_355 : vector<128x1xf32> to vector<128xf32>
    %broadcast_in_dim3A_364 = vector.shape_cast %reduce_min3A_362 : vector<128xi32> to vector<128x1xi32>
    %eq3A_365 = vector.broadcast %broadcast_in_dim3A_364 : vector<128x1xi32> to vector<128x1024xi32>
    %eq3A_366 = arith.cmpi eq, %select_n3A_316, %eq3A_365 : vector<128x1024xi32>
    %jit3A_367 = arith.constant 0x7F800000 : f32
    %broadcast_in_dim3A_368 = vector.broadcast %jit3A_367 : f32 to vector<128x1024xf32>
    %select_n3A_369 = arith.select %eq3A_366, %broadcast_in_dim3A_368, %select_n3A_352 : vector<128x1024xi1>, vector<128x1024xf32>
    %reduce_min3A_370 = arith.constant dense<0x7F800000> : vector<128xf32>
    %reduce_min3A_371 = vector.multi_reduction <minimumf>, %select_n3A_369, %reduce_min3A_370 [1] : vector<128x1024xf32> to vector<128xf32>
    %broadcast_in_dim3A_372 = vector.shape_cast %reduce_min3A_371 : vector<128xf32> to vector<128x1xf32>
    %eq3A_373 = vector.broadcast %broadcast_in_dim3A_372 : vector<128x1xf32> to vector<128x1024xf32>
    %eq3A_374 = arith.cmpf oeq, %select_n3A_369, %eq3A_373 : vector<128x1024xf32>
    %jit3A_375 = arith.constant 8192 : i32
    %broadcast_in_dim3A_376 = vector.broadcast %jit3A_375 : i32 to vector<128x1024xi32>
    %select_n3A_377 = arith.select %eq3A_374, %select_n3A_316, %broadcast_in_dim3A_376 : vector<128x1024xi1>, vector<128x1024xi32>
    %reduce_min3A_378 = arith.constant dense<2147483647> : vector<128xi32>
    %reduce_min3A_379 = vector.multi_reduction <minsi>, %select_n3A_377, %reduce_min3A_378 [1] : vector<128x1024xi32> to vector<128xi32>
    %squeeze3A_380 = vector.shape_cast %broadcast_in_dim3A_372 : vector<128x1xf32> to vector<128xf32>
    %broadcast_in_dim3A_381 = vector.shape_cast %reduce_min3A_379 : vector<128xi32> to vector<128x1xi32>
    %eq3A_382 = vector.broadcast %broadcast_in_dim3A_381 : vector<128x1xi32> to vector<128x1024xi32>
    %eq3A_383 = arith.cmpi eq, %select_n3A_316, %eq3A_382 : vector<128x1024xi32>
    %jit3A_384 = arith.constant 0x7F800000 : f32
    %broadcast_in_dim3A_385 = vector.broadcast %jit3A_384 : f32 to vector<128x1024xf32>
    %select_n3A_386 = arith.select %eq3A_383, %broadcast_in_dim3A_385, %select_n3A_369 : vector<128x1024xi1>, vector<128x1024xf32>
    %reduce_min3A_387 = arith.constant dense<0x7F800000> : vector<128xf32>
    %reduce_min3A_388 = vector.multi_reduction <minimumf>, %select_n3A_386, %reduce_min3A_387 [1] : vector<128x1024xf32> to vector<128xf32>
    %broadcast_in_dim3A_389 = vector.shape_cast %reduce_min3A_388 : vector<128xf32> to vector<128x1xf32>
    %eq3A_390 = vector.broadcast %broadcast_in_dim3A_389 : vector<128x1xf32> to vector<128x1024xf32>
    %eq3A_391 = arith.cmpf oeq, %select_n3A_386, %eq3A_390 : vector<128x1024xf32>
    %jit3A_392 = arith.constant 8192 : i32
    %broadcast_in_dim3A_393 = vector.broadcast %jit3A_392 : i32 to vector<128x1024xi32>
    %select_n3A_394 = arith.select %eq3A_391, %select_n3A_316, %broadcast_in_dim3A_393 : vector<128x1024xi1>, vector<128x1024xi32>
    %reduce_min3A_395 = arith.constant dense<2147483647> : vector<128xi32>
    %reduce_min3A_396 = vector.multi_reduction <minsi>, %select_n3A_394, %reduce_min3A_395 [1] : vector<128x1024xi32> to vector<128xi32>
    %squeeze3A_397 = vector.shape_cast %broadcast_in_dim3A_389 : vector<128x1xf32> to vector<128xf32>
    %reduce_min3A_398 = arith.constant dense<0x7F800000> : vector<128xf32>
    %reduce_min3A_399 = vector.multi_reduction <minimumf>, %select_n3A_317, %reduce_min3A_398 [1] : vector<128x1024xf32> to vector<128xf32>
    %broadcast_in_dim3A_400 = vector.shape_cast %reduce_min3A_399 : vector<128xf32> to vector<128x1xf32>
    %eq3A_401 = vector.broadcast %broadcast_in_dim3A_400 : vector<128x1xf32> to vector<128x1024xf32>
    %eq3A_402 = arith.cmpf oeq, %select_n3A_317, %eq3A_401 : vector<128x1024xf32>
    %jit3A_403 = arith.constant 8192 : i32
    %broadcast_in_dim3A_404 = vector.broadcast %jit3A_403 : i32 to vector<128x1024xi32>
    %select_n3A_405 = arith.select %eq3A_402, %select_n3A_318, %broadcast_in_dim3A_404 : vector<128x1024xi1>, vector<128x1024xi32>
    %reduce_min3A_406 = arith.constant dense<2147483647> : vector<128xi32>
    %reduce_min3A_407 = vector.multi_reduction <minsi>, %select_n3A_405, %reduce_min3A_406 [1] : vector<128x1024xi32> to vector<128xi32>
    %squeeze3A_408 = vector.shape_cast %broadcast_in_dim3A_400 : vector<128x1xf32> to vector<128xf32>
    %broadcast_in_dim3A_409 = vector.shape_cast %reduce_min3A_407 : vector<128xi32> to vector<128x1xi32>
    %eq3A_410 = vector.broadcast %broadcast_in_dim3A_409 : vector<128x1xi32> to vector<128x1024xi32>
    %eq3A_411 = arith.cmpi eq, %select_n3A_318, %eq3A_410 : vector<128x1024xi32>
    %jit3A_412 = arith.constant 0x7F800000 : f32
    %broadcast_in_dim3A_413 = vector.broadcast %jit3A_412 : f32 to vector<128x1024xf32>
    %select_n3A_414 = arith.select %eq3A_411, %broadcast_in_dim3A_413, %select_n3A_317 : vector<128x1024xi1>, vector<128x1024xf32>
    %reduce_min3A_415 = arith.constant dense<0x7F800000> : vector<128xf32>
    %reduce_min3A_416 = vector.multi_reduction <minimumf>, %select_n3A_414, %reduce_min3A_415 [1] : vector<128x1024xf32> to vector<128xf32>
    %broadcast_in_dim3A_417 = vector.shape_cast %reduce_min3A_416 : vector<128xf32> to vector<128x1xf32>
    %eq3A_418 = vector.broadcast %broadcast_in_dim3A_417 : vector<128x1xf32> to vector<128x1024xf32>
    %eq3A_419 = arith.cmpf oeq, %select_n3A_414, %eq3A_418 : vector<128x1024xf32>
    %jit3A_420 = arith.constant 8192 : i32
    %broadcast_in_dim3A_421 = vector.broadcast %jit3A_420 : i32 to vector<128x1024xi32>
    %select_n3A_422 = arith.select %eq3A_419, %select_n3A_318, %broadcast_in_dim3A_421 : vector<128x1024xi1>, vector<128x1024xi32>
    %reduce_min3A_423 = arith.constant dense<2147483647> : vector<128xi32>
    %reduce_min3A_424 = vector.multi_reduction <minsi>, %select_n3A_422, %reduce_min3A_423 [1] : vector<128x1024xi32> to vector<128xi32>
    %squeeze3A_425 = vector.shape_cast %broadcast_in_dim3A_417 : vector<128x1xf32> to vector<128xf32>
    %slice3A_426 = vector.extract_strided_slice %select_n3A_40 {offsets = [0, 0], sizes = [128, 2048], strides = [1, 1]} : vector<128x4096xf32> to vector<128x2048xf32>
    %slice3A_427 = vector.extract_strided_slice %select_n3A_40 {offsets = [0, 2048], sizes = [128, 2048], strides = [1, 1]} : vector<128x4096xf32> to vector<128x2048xf32>
    %slice3A_428 = vector.extract_strided_slice %select_n3A_41 {offsets = [0, 0], sizes = [128, 2048], strides = [1, 1]} : vector<128x4096xi32> to vector<128x2048xi32>
    %slice3A_429 = vector.extract_strided_slice %select_n3A_41 {offsets = [0, 2048], sizes = [128, 2048], strides = [1, 1]} : vector<128x4096xi32> to vector<128x2048xi32>
    %lt3A_430 = arith.cmpf olt, %slice3A_427, %slice3A_426 : vector<128x2048xf32>
    %eq3A_431 = arith.cmpf oeq, %slice3A_427, %slice3A_426 : vector<128x2048xf32>
    %lt3A_432 = arith.cmpi slt, %slice3A_429, %slice3A_428 : vector<128x2048xi32>
    %and3A_433 = arith.andi %eq3A_431, %lt3A_432 : vector<128x2048xi1>
    %or3A_434 = arith.ori %lt3A_430, %and3A_433 : vector<128x2048xi1>
    %select_n3A_435 = arith.select %or3A_434, %slice3A_427, %slice3A_426 : vector<128x2048xi1>, vector<128x2048xf32>
    %select_n3A_436 = arith.select %or3A_434, %slice3A_429, %slice3A_428 : vector<128x2048xi1>, vector<128x2048xi32>
    %select_n3A_437 = arith.select %or3A_434, %slice3A_426, %slice3A_427 : vector<128x2048xi1>, vector<128x2048xf32>
    %select_n3A_438 = arith.select %or3A_434, %slice3A_428, %slice3A_429 : vector<128x2048xi1>, vector<128x2048xi32>
    %slice3A_439 = vector.extract_strided_slice %select_n3A_435 {offsets = [0, 0], sizes = [128, 1024], strides = [1, 1]} : vector<128x2048xf32> to vector<128x1024xf32>
    %slice3A_440 = vector.extract_strided_slice %select_n3A_435 {offsets = [0, 1024], sizes = [128, 1024], strides = [1, 1]} : vector<128x2048xf32> to vector<128x1024xf32>
    %slice3A_441 = vector.extract_strided_slice %select_n3A_436 {offsets = [0, 0], sizes = [128, 1024], strides = [1, 1]} : vector<128x2048xi32> to vector<128x1024xi32>
    %slice3A_442 = vector.extract_strided_slice %select_n3A_436 {offsets = [0, 1024], sizes = [128, 1024], strides = [1, 1]} : vector<128x2048xi32> to vector<128x1024xi32>
    %lt3A_443 = arith.cmpf olt, %slice3A_440, %slice3A_439 : vector<128x1024xf32>
    %eq3A_444 = arith.cmpf oeq, %slice3A_440, %slice3A_439 : vector<128x1024xf32>
    %lt3A_445 = arith.cmpi slt, %slice3A_442, %slice3A_441 : vector<128x1024xi32>
    %and3A_446 = arith.andi %eq3A_444, %lt3A_445 : vector<128x1024xi1>
    %or3A_447 = arith.ori %lt3A_443, %and3A_446 : vector<128x1024xi1>
    %select_n3A_448 = arith.select %or3A_447, %slice3A_440, %slice3A_439 : vector<128x1024xi1>, vector<128x1024xf32>
    %select_n3A_449 = arith.select %or3A_447, %slice3A_442, %slice3A_441 : vector<128x1024xi1>, vector<128x1024xi32>
    %select_n3A_450 = arith.select %or3A_447, %slice3A_439, %slice3A_440 : vector<128x1024xi1>, vector<128x1024xf32>
    %select_n3A_451 = arith.select %or3A_447, %slice3A_441, %slice3A_442 : vector<128x1024xi1>, vector<128x1024xi32>
    %reduce_min3A_452 = arith.constant dense<0x7F800000> : vector<128xf32>
    %reduce_min3A_453 = vector.multi_reduction <minimumf>, %select_n3A_448, %reduce_min3A_452 [1] : vector<128x1024xf32> to vector<128xf32>
    %broadcast_in_dim3A_454 = vector.shape_cast %reduce_min3A_453 : vector<128xf32> to vector<128x1xf32>
    %eq3A_455 = vector.broadcast %broadcast_in_dim3A_454 : vector<128x1xf32> to vector<128x1024xf32>
    %eq3A_456 = arith.cmpf oeq, %select_n3A_448, %eq3A_455 : vector<128x1024xf32>
    %jit3A_457 = arith.constant 8192 : i32
    %broadcast_in_dim3A_458 = vector.broadcast %jit3A_457 : i32 to vector<128x1024xi32>
    %select_n3A_459 = arith.select %eq3A_456, %select_n3A_449, %broadcast_in_dim3A_458 : vector<128x1024xi1>, vector<128x1024xi32>
    %reduce_min3A_460 = arith.constant dense<2147483647> : vector<128xi32>
    %reduce_min3A_461 = vector.multi_reduction <minsi>, %select_n3A_459, %reduce_min3A_460 [1] : vector<128x1024xi32> to vector<128xi32>
    %squeeze3A_462 = vector.shape_cast %broadcast_in_dim3A_454 : vector<128x1xf32> to vector<128xf32>
    %broadcast_in_dim3A_463 = vector.shape_cast %reduce_min3A_461 : vector<128xi32> to vector<128x1xi32>
    %eq3A_464 = vector.broadcast %broadcast_in_dim3A_463 : vector<128x1xi32> to vector<128x1024xi32>
    %eq3A_465 = arith.cmpi eq, %select_n3A_449, %eq3A_464 : vector<128x1024xi32>
    %jit3A_466 = arith.constant 0x7F800000 : f32
    %broadcast_in_dim3A_467 = vector.broadcast %jit3A_466 : f32 to vector<128x1024xf32>
    %select_n3A_468 = arith.select %eq3A_465, %broadcast_in_dim3A_467, %select_n3A_448 : vector<128x1024xi1>, vector<128x1024xf32>
    %reduce_min3A_469 = arith.constant dense<0x7F800000> : vector<128xf32>
    %reduce_min3A_470 = vector.multi_reduction <minimumf>, %select_n3A_468, %reduce_min3A_469 [1] : vector<128x1024xf32> to vector<128xf32>
    %broadcast_in_dim3A_471 = vector.shape_cast %reduce_min3A_470 : vector<128xf32> to vector<128x1xf32>
    %eq3A_472 = vector.broadcast %broadcast_in_dim3A_471 : vector<128x1xf32> to vector<128x1024xf32>
    %eq3A_473 = arith.cmpf oeq, %select_n3A_468, %eq3A_472 : vector<128x1024xf32>
    %jit3A_474 = arith.constant 8192 : i32
    %broadcast_in_dim3A_475 = vector.broadcast %jit3A_474 : i32 to vector<128x1024xi32>
    %select_n3A_476 = arith.select %eq3A_473, %select_n3A_449, %broadcast_in_dim3A_475 : vector<128x1024xi1>, vector<128x1024xi32>
    %reduce_min3A_477 = arith.constant dense<2147483647> : vector<128xi32>
    %reduce_min3A_478 = vector.multi_reduction <minsi>, %select_n3A_476, %reduce_min3A_477 [1] : vector<128x1024xi32> to vector<128xi32>
    %squeeze3A_479 = vector.shape_cast %broadcast_in_dim3A_471 : vector<128x1xf32> to vector<128xf32>
    %broadcast_in_dim3A_480 = vector.shape_cast %reduce_min3A_478 : vector<128xi32> to vector<128x1xi32>
    %eq3A_481 = vector.broadcast %broadcast_in_dim3A_480 : vector<128x1xi32> to vector<128x1024xi32>
    %eq3A_482 = arith.cmpi eq, %select_n3A_449, %eq3A_481 : vector<128x1024xi32>
    %jit3A_483 = arith.constant 0x7F800000 : f32
    %broadcast_in_dim3A_484 = vector.broadcast %jit3A_483 : f32 to vector<128x1024xf32>
    %select_n3A_485 = arith.select %eq3A_482, %broadcast_in_dim3A_484, %select_n3A_468 : vector<128x1024xi1>, vector<128x1024xf32>
    %reduce_min3A_486 = arith.constant dense<0x7F800000> : vector<128xf32>
    %reduce_min3A_487 = vector.multi_reduction <minimumf>, %select_n3A_485, %reduce_min3A_486 [1] : vector<128x1024xf32> to vector<128xf32>
    %broadcast_in_dim3A_488 = vector.shape_cast %reduce_min3A_487 : vector<128xf32> to vector<128x1xf32>
    %eq3A_489 = vector.broadcast %broadcast_in_dim3A_488 : vector<128x1xf32> to vector<128x1024xf32>
    %eq3A_490 = arith.cmpf oeq, %select_n3A_485, %eq3A_489 : vector<128x1024xf32>
    %jit3A_491 = arith.constant 8192 : i32
    %broadcast_in_dim3A_492 = vector.broadcast %jit3A_491 : i32 to vector<128x1024xi32>
    %select_n3A_493 = arith.select %eq3A_490, %select_n3A_449, %broadcast_in_dim3A_492 : vector<128x1024xi1>, vector<128x1024xi32>
    %reduce_min3A_494 = arith.constant dense<2147483647> : vector<128xi32>
    %reduce_min3A_495 = vector.multi_reduction <minsi>, %select_n3A_493, %reduce_min3A_494 [1] : vector<128x1024xi32> to vector<128xi32>
    %squeeze3A_496 = vector.shape_cast %broadcast_in_dim3A_488 : vector<128x1xf32> to vector<128xf32>
    %broadcast_in_dim3A_497 = vector.shape_cast %reduce_min3A_495 : vector<128xi32> to vector<128x1xi32>
    %eq3A_498 = vector.broadcast %broadcast_in_dim3A_497 : vector<128x1xi32> to vector<128x1024xi32>
    %eq3A_499 = arith.cmpi eq, %select_n3A_449, %eq3A_498 : vector<128x1024xi32>
    %jit3A_500 = arith.constant 0x7F800000 : f32
    %broadcast_in_dim3A_501 = vector.broadcast %jit3A_500 : f32 to vector<128x1024xf32>
    %select_n3A_502 = arith.select %eq3A_499, %broadcast_in_dim3A_501, %select_n3A_485 : vector<128x1024xi1>, vector<128x1024xf32>
    %reduce_min3A_503 = arith.constant dense<0x7F800000> : vector<128xf32>
    %reduce_min3A_504 = vector.multi_reduction <minimumf>, %select_n3A_502, %reduce_min3A_503 [1] : vector<128x1024xf32> to vector<128xf32>
    %broadcast_in_dim3A_505 = vector.shape_cast %reduce_min3A_504 : vector<128xf32> to vector<128x1xf32>
    %eq3A_506 = vector.broadcast %broadcast_in_dim3A_505 : vector<128x1xf32> to vector<128x1024xf32>
    %eq3A_507 = arith.cmpf oeq, %select_n3A_502, %eq3A_506 : vector<128x1024xf32>
    %jit3A_508 = arith.constant 8192 : i32
    %broadcast_in_dim3A_509 = vector.broadcast %jit3A_508 : i32 to vector<128x1024xi32>
    %select_n3A_510 = arith.select %eq3A_507, %select_n3A_449, %broadcast_in_dim3A_509 : vector<128x1024xi1>, vector<128x1024xi32>
    %reduce_min3A_511 = arith.constant dense<2147483647> : vector<128xi32>
    %reduce_min3A_512 = vector.multi_reduction <minsi>, %select_n3A_510, %reduce_min3A_511 [1] : vector<128x1024xi32> to vector<128xi32>
    %squeeze3A_513 = vector.shape_cast %broadcast_in_dim3A_505 : vector<128x1xf32> to vector<128xf32>
    %broadcast_in_dim3A_514 = vector.shape_cast %reduce_min3A_512 : vector<128xi32> to vector<128x1xi32>
    %eq3A_515 = vector.broadcast %broadcast_in_dim3A_514 : vector<128x1xi32> to vector<128x1024xi32>
    %eq3A_516 = arith.cmpi eq, %select_n3A_449, %eq3A_515 : vector<128x1024xi32>
    %jit3A_517 = arith.constant 0x7F800000 : f32
    %broadcast_in_dim3A_518 = vector.broadcast %jit3A_517 : f32 to vector<128x1024xf32>
    %select_n3A_519 = arith.select %eq3A_516, %broadcast_in_dim3A_518, %select_n3A_502 : vector<128x1024xi1>, vector<128x1024xf32>
    %reduce_min3A_520 = arith.constant dense<0x7F800000> : vector<128xf32>
    %reduce_min3A_521 = vector.multi_reduction <minimumf>, %select_n3A_519, %reduce_min3A_520 [1] : vector<128x1024xf32> to vector<128xf32>
    %broadcast_in_dim3A_522 = vector.shape_cast %reduce_min3A_521 : vector<128xf32> to vector<128x1xf32>
    %eq3A_523 = vector.broadcast %broadcast_in_dim3A_522 : vector<128x1xf32> to vector<128x1024xf32>
    %eq3A_524 = arith.cmpf oeq, %select_n3A_519, %eq3A_523 : vector<128x1024xf32>
    %jit3A_525 = arith.constant 8192 : i32
    %broadcast_in_dim3A_526 = vector.broadcast %jit3A_525 : i32 to vector<128x1024xi32>
    %select_n3A_527 = arith.select %eq3A_524, %select_n3A_449, %broadcast_in_dim3A_526 : vector<128x1024xi1>, vector<128x1024xi32>
    %reduce_min3A_528 = arith.constant dense<2147483647> : vector<128xi32>
    %reduce_min3A_529 = vector.multi_reduction <minsi>, %select_n3A_527, %reduce_min3A_528 [1] : vector<128x1024xi32> to vector<128xi32>
    %squeeze3A_530 = vector.shape_cast %broadcast_in_dim3A_522 : vector<128x1xf32> to vector<128xf32>
    %reduce_min3A_531 = arith.constant dense<0x7F800000> : vector<128xf32>
    %reduce_min3A_532 = vector.multi_reduction <minimumf>, %select_n3A_450, %reduce_min3A_531 [1] : vector<128x1024xf32> to vector<128xf32>
    %broadcast_in_dim3A_533 = vector.shape_cast %reduce_min3A_532 : vector<128xf32> to vector<128x1xf32>
    %eq3A_534 = vector.broadcast %broadcast_in_dim3A_533 : vector<128x1xf32> to vector<128x1024xf32>
    %eq3A_535 = arith.cmpf oeq, %select_n3A_450, %eq3A_534 : vector<128x1024xf32>
    %jit3A_536 = arith.constant 8192 : i32
    %broadcast_in_dim3A_537 = vector.broadcast %jit3A_536 : i32 to vector<128x1024xi32>
    %select_n3A_538 = arith.select %eq3A_535, %select_n3A_451, %broadcast_in_dim3A_537 : vector<128x1024xi1>, vector<128x1024xi32>
    %reduce_min3A_539 = arith.constant dense<2147483647> : vector<128xi32>
    %reduce_min3A_540 = vector.multi_reduction <minsi>, %select_n3A_538, %reduce_min3A_539 [1] : vector<128x1024xi32> to vector<128xi32>
    %squeeze3A_541 = vector.shape_cast %broadcast_in_dim3A_533 : vector<128x1xf32> to vector<128xf32>
    %broadcast_in_dim3A_542 = vector.shape_cast %reduce_min3A_540 : vector<128xi32> to vector<128x1xi32>
    %eq3A_543 = vector.broadcast %broadcast_in_dim3A_542 : vector<128x1xi32> to vector<128x1024xi32>
    %eq3A_544 = arith.cmpi eq, %select_n3A_451, %eq3A_543 : vector<128x1024xi32>
    %jit3A_545 = arith.constant 0x7F800000 : f32
    %broadcast_in_dim3A_546 = vector.broadcast %jit3A_545 : f32 to vector<128x1024xf32>
    %select_n3A_547 = arith.select %eq3A_544, %broadcast_in_dim3A_546, %select_n3A_450 : vector<128x1024xi1>, vector<128x1024xf32>
    %reduce_min3A_548 = arith.constant dense<0x7F800000> : vector<128xf32>
    %reduce_min3A_549 = vector.multi_reduction <minimumf>, %select_n3A_547, %reduce_min3A_548 [1] : vector<128x1024xf32> to vector<128xf32>
    %broadcast_in_dim3A_550 = vector.shape_cast %reduce_min3A_549 : vector<128xf32> to vector<128x1xf32>
    %eq3A_551 = vector.broadcast %broadcast_in_dim3A_550 : vector<128x1xf32> to vector<128x1024xf32>
    %eq3A_552 = arith.cmpf oeq, %select_n3A_547, %eq3A_551 : vector<128x1024xf32>
    %jit3A_553 = arith.constant 8192 : i32
    %broadcast_in_dim3A_554 = vector.broadcast %jit3A_553 : i32 to vector<128x1024xi32>
    %select_n3A_555 = arith.select %eq3A_552, %select_n3A_451, %broadcast_in_dim3A_554 : vector<128x1024xi1>, vector<128x1024xi32>
    %reduce_min3A_556 = arith.constant dense<2147483647> : vector<128xi32>
    %reduce_min3A_557 = vector.multi_reduction <minsi>, %select_n3A_555, %reduce_min3A_556 [1] : vector<128x1024xi32> to vector<128xi32>
    %squeeze3A_558 = vector.shape_cast %broadcast_in_dim3A_550 : vector<128x1xf32> to vector<128xf32>
    %slice3A_559 = vector.extract_strided_slice %select_n3A_437 {offsets = [0, 0], sizes = [128, 1024], strides = [1, 1]} : vector<128x2048xf32> to vector<128x1024xf32>
    %slice3A_560 = vector.extract_strided_slice %select_n3A_437 {offsets = [0, 1024], sizes = [128, 1024], strides = [1, 1]} : vector<128x2048xf32> to vector<128x1024xf32>
    %slice3A_561 = vector.extract_strided_slice %select_n3A_438 {offsets = [0, 0], sizes = [128, 1024], strides = [1, 1]} : vector<128x2048xi32> to vector<128x1024xi32>
    %slice3A_562 = vector.extract_strided_slice %select_n3A_438 {offsets = [0, 1024], sizes = [128, 1024], strides = [1, 1]} : vector<128x2048xi32> to vector<128x1024xi32>
    %lt3A_563 = arith.cmpf olt, %slice3A_560, %slice3A_559 : vector<128x1024xf32>
    %eq3A_564 = arith.cmpf oeq, %slice3A_560, %slice3A_559 : vector<128x1024xf32>
    %lt3A_565 = arith.cmpi slt, %slice3A_562, %slice3A_561 : vector<128x1024xi32>
    %and3A_566 = arith.andi %eq3A_564, %lt3A_565 : vector<128x1024xi1>
    %or3A_567 = arith.ori %lt3A_563, %and3A_566 : vector<128x1024xi1>
    %select_n3A_568 = arith.select %or3A_567, %slice3A_560, %slice3A_559 : vector<128x1024xi1>, vector<128x1024xf32>
    %select_n3A_569 = arith.select %or3A_567, %slice3A_562, %slice3A_561 : vector<128x1024xi1>, vector<128x1024xi32>
    %select_n3A_570 = arith.select %or3A_567, %slice3A_559, %slice3A_560 : vector<128x1024xi1>, vector<128x1024xf32>
    %select_n3A_571 = arith.select %or3A_567, %slice3A_561, %slice3A_562 : vector<128x1024xi1>, vector<128x1024xi32>
    %reduce_min3A_572 = arith.constant dense<0x7F800000> : vector<128xf32>
    %reduce_min3A_573 = vector.multi_reduction <minimumf>, %select_n3A_568, %reduce_min3A_572 [1] : vector<128x1024xf32> to vector<128xf32>
    %broadcast_in_dim3A_574 = vector.shape_cast %reduce_min3A_573 : vector<128xf32> to vector<128x1xf32>
    %eq3A_575 = vector.broadcast %broadcast_in_dim3A_574 : vector<128x1xf32> to vector<128x1024xf32>
    %eq3A_576 = arith.cmpf oeq, %select_n3A_568, %eq3A_575 : vector<128x1024xf32>
    %jit3A_577 = arith.constant 8192 : i32
    %broadcast_in_dim3A_578 = vector.broadcast %jit3A_577 : i32 to vector<128x1024xi32>
    %select_n3A_579 = arith.select %eq3A_576, %select_n3A_569, %broadcast_in_dim3A_578 : vector<128x1024xi1>, vector<128x1024xi32>
    %reduce_min3A_580 = arith.constant dense<2147483647> : vector<128xi32>
    %reduce_min3A_581 = vector.multi_reduction <minsi>, %select_n3A_579, %reduce_min3A_580 [1] : vector<128x1024xi32> to vector<128xi32>
    %squeeze3A_582 = vector.shape_cast %broadcast_in_dim3A_574 : vector<128x1xf32> to vector<128xf32>
    %broadcast_in_dim3A_583 = vector.shape_cast %reduce_min3A_581 : vector<128xi32> to vector<128x1xi32>
    %eq3A_584 = vector.broadcast %broadcast_in_dim3A_583 : vector<128x1xi32> to vector<128x1024xi32>
    %eq3A_585 = arith.cmpi eq, %select_n3A_569, %eq3A_584 : vector<128x1024xi32>
    %jit3A_586 = arith.constant 0x7F800000 : f32
    %broadcast_in_dim3A_587 = vector.broadcast %jit3A_586 : f32 to vector<128x1024xf32>
    %select_n3A_588 = arith.select %eq3A_585, %broadcast_in_dim3A_587, %select_n3A_568 : vector<128x1024xi1>, vector<128x1024xf32>
    %reduce_min3A_589 = arith.constant dense<0x7F800000> : vector<128xf32>
    %reduce_min3A_590 = vector.multi_reduction <minimumf>, %select_n3A_588, %reduce_min3A_589 [1] : vector<128x1024xf32> to vector<128xf32>
    %broadcast_in_dim3A_591 = vector.shape_cast %reduce_min3A_590 : vector<128xf32> to vector<128x1xf32>
    %eq3A_592 = vector.broadcast %broadcast_in_dim3A_591 : vector<128x1xf32> to vector<128x1024xf32>
    %eq3A_593 = arith.cmpf oeq, %select_n3A_588, %eq3A_592 : vector<128x1024xf32>
    %jit3A_594 = arith.constant 8192 : i32
    %broadcast_in_dim3A_595 = vector.broadcast %jit3A_594 : i32 to vector<128x1024xi32>
    %select_n3A_596 = arith.select %eq3A_593, %select_n3A_569, %broadcast_in_dim3A_595 : vector<128x1024xi1>, vector<128x1024xi32>
    %reduce_min3A_597 = arith.constant dense<2147483647> : vector<128xi32>
    %reduce_min3A_598 = vector.multi_reduction <minsi>, %select_n3A_596, %reduce_min3A_597 [1] : vector<128x1024xi32> to vector<128xi32>
    %squeeze3A_599 = vector.shape_cast %broadcast_in_dim3A_591 : vector<128x1xf32> to vector<128xf32>
    %reduce_min3A_600 = arith.constant dense<0x7F800000> : vector<128xf32>
    %reduce_min3A_601 = vector.multi_reduction <minimumf>, %select_n3A_570, %reduce_min3A_600 [1] : vector<128x1024xf32> to vector<128xf32>
    %broadcast_in_dim3A_602 = vector.shape_cast %reduce_min3A_601 : vector<128xf32> to vector<128x1xf32>
    %eq3A_603 = vector.broadcast %broadcast_in_dim3A_602 : vector<128x1xf32> to vector<128x1024xf32>
    %eq3A_604 = arith.cmpf oeq, %select_n3A_570, %eq3A_603 : vector<128x1024xf32>
    %jit3A_605 = arith.constant 8192 : i32
    %broadcast_in_dim3A_606 = vector.broadcast %jit3A_605 : i32 to vector<128x1024xi32>
    %select_n3A_607 = arith.select %eq3A_604, %select_n3A_571, %broadcast_in_dim3A_606 : vector<128x1024xi1>, vector<128x1024xi32>
    %reduce_min3A_608 = arith.constant dense<2147483647> : vector<128xi32>
    %reduce_min3A_609 = vector.multi_reduction <minsi>, %select_n3A_607, %reduce_min3A_608 [1] : vector<128x1024xi32> to vector<128xi32>
    %squeeze3A_610 = vector.shape_cast %broadcast_in_dim3A_602 : vector<128x1xf32> to vector<128xf32>
    %stack3A = vector.shape_cast %squeeze3A : vector<128xf32> to vector<128x1xf32>
    %stack3A_611 = vector.shape_cast %squeeze3A_90 : vector<128xf32> to vector<128x1xf32>
    %stack3A_612 = vector.shape_cast %squeeze3A_107 : vector<128xf32> to vector<128x1xf32>
    %stack3A_613 = vector.shape_cast %squeeze3A_124 : vector<128xf32> to vector<128x1xf32>
    %stack3A_614 = vector.shape_cast %squeeze3A_141 : vector<128xf32> to vector<128x1xf32>
    %stack3A_615 = vector.shape_cast %squeeze3A_158 : vector<128xf32> to vector<128x1xf32>
    %stack3A_616 = vector.shape_cast %squeeze3A_175 : vector<128xf32> to vector<128x1xf32>
    %stack3A_617 = vector.shape_cast %squeeze3A_192 : vector<128xf32> to vector<128x1xf32>
    %stack3A_618 = vector.shape_cast %squeeze3A_209 : vector<128xf32> to vector<128x1xf32>
    %stack3A_619 = vector.shape_cast %squeeze3A_226 : vector<128xf32> to vector<128x1xf32>
    %stack3A_620 = vector.shape_cast %squeeze3A_237 : vector<128xf32> to vector<128x1xf32>
    %stack3A_621 = vector.shape_cast %squeeze3A_254 : vector<128xf32> to vector<128x1xf32>
    %stack3A_622 = vector.shape_cast %squeeze3A_271 : vector<128xf32> to vector<128x1xf32>
    %stack3A_623 = vector.shape_cast %squeeze3A_288 : vector<128xf32> to vector<128x1xf32>
    %stack3A_624 = vector.shape_cast %squeeze3A_305 : vector<128xf32> to vector<128x1xf32>
    %stack3A_625 = vector.shape_cast %squeeze3A_329 : vector<128xf32> to vector<128x1xf32>
    %stack3A_626 = vector.shape_cast %squeeze3A_346 : vector<128xf32> to vector<128x1xf32>
    %stack3A_627 = vector.shape_cast %squeeze3A_363 : vector<128xf32> to vector<128x1xf32>
    %stack3A_628 = vector.shape_cast %squeeze3A_380 : vector<128xf32> to vector<128x1xf32>
    %stack3A_629 = vector.shape_cast %squeeze3A_397 : vector<128xf32> to vector<128x1xf32>
    %stack3A_630 = vector.shape_cast %squeeze3A_408 : vector<128xf32> to vector<128x1xf32>
    %stack3A_631 = vector.shape_cast %squeeze3A_425 : vector<128xf32> to vector<128x1xf32>
    %stack3A_632 = vector.shape_cast %squeeze3A_462 : vector<128xf32> to vector<128x1xf32>
    %stack3A_633 = vector.shape_cast %squeeze3A_479 : vector<128xf32> to vector<128x1xf32>
    %stack3A_634 = vector.shape_cast %squeeze3A_496 : vector<128xf32> to vector<128x1xf32>
    %stack3A_635 = vector.shape_cast %squeeze3A_513 : vector<128xf32> to vector<128x1xf32>
    %stack3A_636 = vector.shape_cast %squeeze3A_530 : vector<128xf32> to vector<128x1xf32>
    %stack3A_637 = vector.shape_cast %squeeze3A_541 : vector<128xf32> to vector<128x1xf32>
    %stack3A_638 = vector.shape_cast %squeeze3A_558 : vector<128xf32> to vector<128x1xf32>
    %stack3A_639 = vector.shape_cast %squeeze3A_582 : vector<128xf32> to vector<128x1xf32>
    %stack3A_640 = vector.shape_cast %squeeze3A_599 : vector<128xf32> to vector<128x1xf32>
    %stack3A_641 = vector.shape_cast %squeeze3A_610 : vector<128xf32> to vector<128x1xf32>
    %stack3A_642 = tpu.concatenate %stack3A, %stack3A_611, %stack3A_612, %stack3A_613, %stack3A_614, %stack3A_615, %stack3A_616, %stack3A_617, %stack3A_618, %stack3A_619, %stack3A_620, %stack3A_621, %stack3A_622, %stack3A_623, %stack3A_624, %stack3A_625, %stack3A_626, %stack3A_627, %stack3A_628, %stack3A_629, %stack3A_630, %stack3A_631, %stack3A_632, %stack3A_633, %stack3A_634, %stack3A_635, %stack3A_636, %stack3A_637, %stack3A_638, %stack3A_639, %stack3A_640, %stack3A_641 in 1 : vector<128x1xf32>, vector<128x1xf32>, vector<128x1xf32>, vector<128x1xf32>, vector<128x1xf32>, vector<128x1xf32>, vector<128x1xf32>, vector<128x1xf32>, vector<128x1xf32>, vector<128x1xf32>, vector<128x1xf32>, vector<128x1xf32>, vector<128x1xf32>, vector<128x1xf32>, vector<128x1xf32>, vector<128x1xf32>, vector<128x1xf32>, vector<128x1xf32>, vector<128x1xf32>, vector<128x1xf32>, vector<128x1xf32>, vector<128x1xf32>, vector<128x1xf32>, vector<128x1xf32>, vector<128x1xf32>, vector<128x1xf32>, vector<128x1xf32>, vector<128x1xf32>, vector<128x1xf32>, vector<128x1xf32>, vector<128x1xf32>, vector<128x1xf32> -> vector<128x32xf32>
    %stack3A_643 = vector.shape_cast %reduce_min3A_73 : vector<128xi32> to vector<128x1xi32>
    %stack3A_644 = vector.shape_cast %reduce_min3A_89 : vector<128xi32> to vector<128x1xi32>
    %stack3A_645 = vector.shape_cast %reduce_min3A_106 : vector<128xi32> to vector<128x1xi32>
    %stack3A_646 = vector.shape_cast %reduce_min3A_123 : vector<128xi32> to vector<128x1xi32>
    %stack3A_647 = vector.shape_cast %reduce_min3A_140 : vector<128xi32> to vector<128x1xi32>
    %stack3A_648 = vector.shape_cast %reduce_min3A_157 : vector<128xi32> to vector<128x1xi32>
    %stack3A_649 = vector.shape_cast %reduce_min3A_174 : vector<128xi32> to vector<128x1xi32>
    %stack3A_650 = vector.shape_cast %reduce_min3A_191 : vector<128xi32> to vector<128x1xi32>
    %stack3A_651 = vector.shape_cast %reduce_min3A_208 : vector<128xi32> to vector<128x1xi32>
    %stack3A_652 = vector.shape_cast %reduce_min3A_225 : vector<128xi32> to vector<128x1xi32>
    %stack3A_653 = vector.shape_cast %reduce_min3A_236 : vector<128xi32> to vector<128x1xi32>
    %stack3A_654 = vector.shape_cast %reduce_min3A_253 : vector<128xi32> to vector<128x1xi32>
    %stack3A_655 = vector.shape_cast %reduce_min3A_270 : vector<128xi32> to vector<128x1xi32>
    %stack3A_656 = vector.shape_cast %reduce_min3A_287 : vector<128xi32> to vector<128x1xi32>
    %stack3A_657 = vector.shape_cast %reduce_min3A_304 : vector<128xi32> to vector<128x1xi32>
    %stack3A_658 = vector.shape_cast %reduce_min3A_328 : vector<128xi32> to vector<128x1xi32>
    %stack3A_659 = vector.shape_cast %reduce_min3A_345 : vector<128xi32> to vector<128x1xi32>
    %stack3A_660 = vector.shape_cast %reduce_min3A_362 : vector<128xi32> to vector<128x1xi32>
    %stack3A_661 = vector.shape_cast %reduce_min3A_379 : vector<128xi32> to vector<128x1xi32>
    %stack3A_662 = vector.shape_cast %reduce_min3A_396 : vector<128xi32> to vector<128x1xi32>
    %stack3A_663 = vector.shape_cast %reduce_min3A_407 : vector<128xi32> to vector<128x1xi32>
    %stack3A_664 = vector.shape_cast %reduce_min3A_424 : vector<128xi32> to vector<128x1xi32>
    %stack3A_665 = vector.shape_cast %reduce_min3A_461 : vector<128xi32> to vector<128x1xi32>
    %stack3A_666 = vector.shape_cast %reduce_min3A_478 : vector<128xi32> to vector<128x1xi32>
    %stack3A_667 = vector.shape_cast %reduce_min3A_495 : vector<128xi32> to vector<128x1xi32>
    %stack3A_668 = vector.shape_cast %reduce_min3A_512 : vector<128xi32> to vector<128x1xi32>
    %stack3A_669 = vector.shape_cast %reduce_min3A_529 : vector<128xi32> to vector<128x1xi32>
    %stack3A_670 = vector.shape_cast %reduce_min3A_540 : vector<128xi32> to vector<128x1xi32>
    %stack3A_671 = vector.shape_cast %reduce_min3A_557 : vector<128xi32> to vector<128x1xi32>
    %stack3A_672 = vector.shape_cast %reduce_min3A_581 : vector<128xi32> to vector<128x1xi32>
    %stack3A_673 = vector.shape_cast %reduce_min3A_598 : vector<128xi32> to vector<128x1xi32>
    %stack3A_674 = vector.shape_cast %reduce_min3A_609 : vector<128xi32> to vector<128x1xi32>
    %stack3A_675 = tpu.concatenate %stack3A_643, %stack3A_644, %stack3A_645, %stack3A_646, %stack3A_647, %stack3A_648, %stack3A_649, %stack3A_650, %stack3A_651, %stack3A_652, %stack3A_653, %stack3A_654, %stack3A_655, %stack3A_656, %stack3A_657, %stack3A_658, %stack3A_659, %stack3A_660, %stack3A_661, %stack3A_662, %stack3A_663, %stack3A_664, %stack3A_665, %stack3A_666, %stack3A_667, %stack3A_668, %stack3A_669, %stack3A_670, %stack3A_671, %stack3A_672, %stack3A_673, %stack3A_674 in 1 : vector<128x1xi32>, vector<128x1xi32>, vector<128x1xi32>, vector<128x1xi32>, vector<128x1xi32>, vector<128x1xi32>, vector<128x1xi32>, vector<128x1xi32>, vector<128x1xi32>, vector<128x1xi32>, vector<128x1xi32>, vector<128x1xi32>, vector<128x1xi32>, vector<128x1xi32>, vector<128x1xi32>, vector<128x1xi32>, vector<128x1xi32>, vector<128x1xi32>, vector<128x1xi32>, vector<128x1xi32>, vector<128x1xi32>, vector<128x1xi32>, vector<128x1xi32>, vector<128x1xi32>, vector<128x1xi32>, vector<128x1xi32>, vector<128x1xi32>, vector<128x1xi32>, vector<128x1xi32>, vector<128x1xi32>, vector<128x1xi32>, vector<128x1xi32> -> vector<128x32xi32>
    %reduce_min3A_676 = arith.constant dense<0x7F800000> : vector<128xf32>
    %reduce_min3A_677 = vector.multi_reduction <minimumf>, %stack3A_642, %reduce_min3A_676 [1] : vector<128x32xf32> to vector<128xf32>
    %broadcast_in_dim3A_678 = vector.shape_cast %reduce_min3A_677 : vector<128xf32> to vector<128x1xf32>
    %eq3A_679 = vector.broadcast %broadcast_in_dim3A_678 : vector<128x1xf32> to vector<128x32xf32>
    %eq3A_680 = arith.cmpf oeq, %stack3A_642, %eq3A_679 : vector<128x32xf32>
    %jit3A_681 = arith.constant 8192 : i32
    %broadcast_in_dim3A_682 = vector.broadcast %jit3A_681 : i32 to vector<128x32xi32>
    %select_n3A_683 = arith.select %eq3A_680, %stack3A_675, %broadcast_in_dim3A_682 : vector<128x32xi1>, vector<128x32xi32>
    %reduce_min3A_684 = arith.constant dense<2147483647> : vector<128xi32>
    %reduce_min3A_685 = vector.multi_reduction <minsi>, %select_n3A_683, %reduce_min3A_684 [1] : vector<128x32xi32> to vector<128xi32>
    %squeeze3A_686 = vector.shape_cast %broadcast_in_dim3A_678 : vector<128x1xf32> to vector<128xf32>
    %lt3A_687 = arith.constant 0x7F800000 : f32
    %lt3A_688 = vector.broadcast %lt3A_687 : f32 to vector<128xf32>
    %lt3A_689 = arith.cmpf olt, %squeeze3A_686, %lt3A_688 : vector<128xf32>
    %jit3A_690 = arith.constant 0 : i32
    %broadcast_in_dim3A_691 = vector.broadcast %jit3A_690 : i32 to vector<128xi32>
    %select_n3A_692 = arith.select %lt3A_689, %reduce_min3A_685, %broadcast_in_dim3A_691 : vector<128xi1>, vector<128xi32>
    %swap3A = arith.constant 0 : index
    %swap3A_693 = arith.constant 0 : index
    %swap3A_694 = vector.load %arg3[%swap3A, %swap3A_693] : memref<16x128xi32, #tpu.memory_space<vmem>>, vector<1x128xi32>
    %swap3A_695 = vector.shape_cast %swap3A_694 : vector<1x128xi32> to vector<128xi32>
    %swap3A_696 = vector.shape_cast %select_n3A_692 : vector<128xi32> to vector<1x128xi32>
    tpu.vector_store %arg3[%swap3A, %swap3A_693], %swap3A_696 {strides = array<i32>} : memref<16x128xi32, #tpu.memory_space<vmem>>, vector<1x128xi32>,
    %jit3A_697 = arith.constant 8192 : i32
    %broadcast_in_dim3A_698 = vector.broadcast %jit3A_697 : i32 to vector<128xi32>
    %select_n3A_699 = arith.select %lt3A_689, %reduce_min3A_685, %broadcast_in_dim3A_698 : vector<128xi1>, vector<128xi32>
    %swap3A_700 = arith.constant 0 : index
    %swap3A_701 = arith.constant 0 : index
    %swap3A_702 = vector.load %arg4[%swap3A_700, %swap3A_701] : memref<16x128xi32, #tpu.memory_space<vmem>>, vector<1x128xi32>
    %swap3A_703 = vector.shape_cast %swap3A_702 : vector<1x128xi32> to vector<128xi32>
    %swap3A_704 = vector.shape_cast %select_n3A_699 : vector<128xi32> to vector<1x128xi32>
    tpu.vector_store %arg4[%swap3A_700, %swap3A_701], %swap3A_704 {strides = array<i32>} : memref<16x128xi32, #tpu.memory_space<vmem>>, vector<1x128xi32>,
    %broadcast_in_dim3A_705 = vector.shape_cast %reduce_min3A_685 : vector<128xi32> to vector<128x1xi32>
    %eq3A_706 = vector.broadcast %broadcast_in_dim3A_705 : vector<128x1xi32> to vector<128x32xi32>
    %eq3A_707 = arith.cmpi eq, %stack3A_675, %eq3A_706 : vector<128x32xi32>
    %jit3A_708 = arith.constant 0x7F800000 : f32
    %broadcast_in_dim3A_709 = vector.broadcast %jit3A_708 : f32 to vector<128x32xf32>
    %select_n3A_710 = arith.select %eq3A_707, %broadcast_in_dim3A_709, %stack3A_642 : vector<128x32xi1>, vector<128x32xf32>
    %reduce_min3A_711 = arith.constant dense<0x7F800000> : vector<128xf32>
    %reduce_min3A_712 = vector.multi_reduction <minimumf>, %select_n3A_710, %reduce_min3A_711 [1] : vector<128x32xf32> to vector<128xf32>
    %broadcast_in_dim3A_713 = vector.shape_cast %reduce_min3A_712 : vector<128xf32> to vector<128x1xf32>
    %eq3A_714 = vector.broadcast %broadcast_in_dim3A_713 : vector<128x1xf32> to vector<128x32xf32>
    %eq3A_715 = arith.cmpf oeq, %select_n3A_710, %eq3A_714 : vector<128x32xf32>
    %jit3A_716 = arith.constant 8192 : i32
    %broadcast_in_dim3A_717 = vector.broadcast %jit3A_716 : i32 to vector<128x32xi32>
    %select_n3A_718 = arith.select %eq3A_715, %stack3A_675, %broadcast_in_dim3A_717 : vector<128x32xi1>, vector<128x32xi32>
    %reduce_min3A_719 = arith.constant dense<2147483647> : vector<128xi32>
    %reduce_min3A_720 = vector.multi_reduction <minsi>, %select_n3A_718, %reduce_min3A_719 [1] : vector<128x32xi32> to vector<128xi32>
    %squeeze3A_721 = vector.shape_cast %broadcast_in_dim3A_713 : vector<128x1xf32> to vector<128xf32>
    %lt3A_722 = arith.constant 0x7F800000 : f32
    %lt3A_723 = vector.broadcast %lt3A_722 : f32 to vector<128xf32>
    %lt3A_724 = arith.cmpf olt, %squeeze3A_721, %lt3A_723 : vector<128xf32>
    %jit3A_725 = arith.constant 0 : i32
    %broadcast_in_dim3A_726 = vector.broadcast %jit3A_725 : i32 to vector<128xi32>
    %select_n3A_727 = arith.select %lt3A_724, %reduce_min3A_720, %broadcast_in_dim3A_726 : vector<128xi1>, vector<128xi32>
    %swap3A_728 = arith.constant 1 : index
    %swap3A_729 = arith.constant 0 : index
    %swap3A_730 = vector.load %arg3[%swap3A_728, %swap3A_729] : memref<16x128xi32, #tpu.memory_space<vmem>>, vector<1x128xi32>
    %swap3A_731 = vector.shape_cast %swap3A_730 : vector<1x128xi32> to vector<128xi32>
    %swap3A_732 = vector.shape_cast %select_n3A_727 : vector<128xi32> to vector<1x128xi32>
    tpu.vector_store %arg3[%swap3A_728, %swap3A_729], %swap3A_732 {strides = array<i32>} : memref<16x128xi32, #tpu.memory_space<vmem>>, vector<1x128xi32>,
    %jit3A_733 = arith.constant 8192 : i32
    %broadcast_in_dim3A_734 = vector.broadcast %jit3A_733 : i32 to vector<128xi32>
    %select_n3A_735 = arith.select %lt3A_724, %reduce_min3A_720, %broadcast_in_dim3A_734 : vector<128xi1>, vector<128xi32>
    %swap3A_736 = arith.constant 1 : index
    %swap3A_737 = arith.constant 0 : index
    %swap3A_738 = vector.load %arg4[%swap3A_736, %swap3A_737] : memref<16x128xi32, #tpu.memory_space<vmem>>, vector<1x128xi32>
    %swap3A_739 = vector.shape_cast %swap3A_738 : vector<1x128xi32> to vector<128xi32>
    %swap3A_740 = vector.shape_cast %select_n3A_735 : vector<128xi32> to vector<1x128xi32>
    tpu.vector_store %arg4[%swap3A_736, %swap3A_737], %swap3A_740 {strides = array<i32>} : memref<16x128xi32, #tpu.memory_space<vmem>>, vector<1x128xi32>,
    %broadcast_in_dim3A_741 = vector.shape_cast %reduce_min3A_720 : vector<128xi32> to vector<128x1xi32>
    %eq3A_742 = vector.broadcast %broadcast_in_dim3A_741 : vector<128x1xi32> to vector<128x32xi32>
    %eq3A_743 = arith.cmpi eq, %stack3A_675, %eq3A_742 : vector<128x32xi32>
    %jit3A_744 = arith.constant 0x7F800000 : f32
    %broadcast_in_dim3A_745 = vector.broadcast %jit3A_744 : f32 to vector<128x32xf32>
    %select_n3A_746 = arith.select %eq3A_743, %broadcast_in_dim3A_745, %select_n3A_710 : vector<128x32xi1>, vector<128x32xf32>
    %reduce_min3A_747 = arith.constant dense<0x7F800000> : vector<128xf32>
    %reduce_min3A_748 = vector.multi_reduction <minimumf>, %select_n3A_746, %reduce_min3A_747 [1] : vector<128x32xf32> to vector<128xf32>
    %broadcast_in_dim3A_749 = vector.shape_cast %reduce_min3A_748 : vector<128xf32> to vector<128x1xf32>
    %eq3A_750 = vector.broadcast %broadcast_in_dim3A_749 : vector<128x1xf32> to vector<128x32xf32>
    %eq3A_751 = arith.cmpf oeq, %select_n3A_746, %eq3A_750 : vector<128x32xf32>
    %jit3A_752 = arith.constant 8192 : i32
    %broadcast_in_dim3A_753 = vector.broadcast %jit3A_752 : i32 to vector<128x32xi32>
    %select_n3A_754 = arith.select %eq3A_751, %stack3A_675, %broadcast_in_dim3A_753 : vector<128x32xi1>, vector<128x32xi32>
    %reduce_min3A_755 = arith.constant dense<2147483647> : vector<128xi32>
    %reduce_min3A_756 = vector.multi_reduction <minsi>, %select_n3A_754, %reduce_min3A_755 [1] : vector<128x32xi32> to vector<128xi32>
    %squeeze3A_757 = vector.shape_cast %broadcast_in_dim3A_749 : vector<128x1xf32> to vector<128xf32>
    %lt3A_758 = arith.constant 0x7F800000 : f32
    %lt3A_759 = vector.broadcast %lt3A_758 : f32 to vector<128xf32>
    %lt3A_760 = arith.cmpf olt, %squeeze3A_757, %lt3A_759 : vector<128xf32>
    %jit3A_761 = arith.constant 0 : i32
    %broadcast_in_dim3A_762 = vector.broadcast %jit3A_761 : i32 to vector<128xi32>
    %select_n3A_763 = arith.select %lt3A_760, %reduce_min3A_756, %broadcast_in_dim3A_762 : vector<128xi1>, vector<128xi32>
    %swap3A_764 = arith.constant 2 : index
    %swap3A_765 = arith.constant 0 : index
    %swap3A_766 = vector.load %arg3[%swap3A_764, %swap3A_765] : memref<16x128xi32, #tpu.memory_space<vmem>>, vector<1x128xi32>
    %swap3A_767 = vector.shape_cast %swap3A_766 : vector<1x128xi32> to vector<128xi32>
    %swap3A_768 = vector.shape_cast %select_n3A_763 : vector<128xi32> to vector<1x128xi32>
    tpu.vector_store %arg3[%swap3A_764, %swap3A_765], %swap3A_768 {strides = array<i32>} : memref<16x128xi32, #tpu.memory_space<vmem>>, vector<1x128xi32>,
    %jit3A_769 = arith.constant 8192 : i32
    %broadcast_in_dim3A_770 = vector.broadcast %jit3A_769 : i32 to vector<128xi32>
    %select_n3A_771 = arith.select %lt3A_760, %reduce_min3A_756, %broadcast_in_dim3A_770 : vector<128xi1>, vector<128xi32>
    %swap3A_772 = arith.constant 2 : index
    %swap3A_773 = arith.constant 0 : index
    %swap3A_774 = vector.load %arg4[%swap3A_772, %swap3A_773] : memref<16x128xi32, #tpu.memory_space<vmem>>, vector<1x128xi32>
    %swap3A_775 = vector.shape_cast %swap3A_774 : vector<1x128xi32> to vector<128xi32>
    %swap3A_776 = vector.shape_cast %select_n3A_771 : vector<128xi32> to vector<1x128xi32>
    tpu.vector_store %arg4[%swap3A_772, %swap3A_773], %swap3A_776 {strides = array<i32>} : memref<16x128xi32, #tpu.memory_space<vmem>>, vector<1x128xi32>,
    %broadcast_in_dim3A_777 = vector.shape_cast %reduce_min3A_756 : vector<128xi32> to vector<128x1xi32>
    %eq3A_778 = vector.broadcast %broadcast_in_dim3A_777 : vector<128x1xi32> to vector<128x32xi32>
    %eq3A_779 = arith.cmpi eq, %stack3A_675, %eq3A_778 : vector<128x32xi32>
    %jit3A_780 = arith.constant 0x7F800000 : f32
    %broadcast_in_dim3A_781 = vector.broadcast %jit3A_780 : f32 to vector<128x32xf32>
    %select_n3A_782 = arith.select %eq3A_779, %broadcast_in_dim3A_781, %select_n3A_746 : vector<128x32xi1>, vector<128x32xf32>
    %reduce_min3A_783 = arith.constant dense<0x7F800000> : vector<128xf32>
    %reduce_min3A_784 = vector.multi_reduction <minimumf>, %select_n3A_782, %reduce_min3A_783 [1] : vector<128x32xf32> to vector<128xf32>
    %broadcast_in_dim3A_785 = vector.shape_cast %reduce_min3A_784 : vector<128xf32> to vector<128x1xf32>
    %eq3A_786 = vector.broadcast %broadcast_in_dim3A_785 : vector<128x1xf32> to vector<128x32xf32>
    %eq3A_787 = arith.cmpf oeq, %select_n3A_782, %eq3A_786 : vector<128x32xf32>
    %jit3A_788 = arith.constant 8192 : i32
    %broadcast_in_dim3A_789 = vector.broadcast %jit3A_788 : i32 to vector<128x32xi32>
    %select_n3A_790 = arith.select %eq3A_787, %stack3A_675, %broadcast_in_dim3A_789 : vector<128x32xi1>, vector<128x32xi32>
    %reduce_min3A_791 = arith.constant dense<2147483647> : vector<128xi32>
    %reduce_min3A_792 = vector.multi_reduction <minsi>, %select_n3A_790, %reduce_min3A_791 [1] : vector<128x32xi32> to vector<128xi32>
    %squeeze3A_793 = vector.shape_cast %broadcast_in_dim3A_785 : vector<128x1xf32> to vector<128xf32>
    %lt3A_794 = arith.constant 0x7F800000 : f32
    %lt3A_795 = vector.broadcast %lt3A_794 : f32 to vector<128xf32>
    %lt3A_796 = arith.cmpf olt, %squeeze3A_793, %lt3A_795 : vector<128xf32>
    %jit3A_797 = arith.constant 0 : i32
    %broadcast_in_dim3A_798 = vector.broadcast %jit3A_797 : i32 to vector<128xi32>
    %select_n3A_799 = arith.select %lt3A_796, %reduce_min3A_792, %broadcast_in_dim3A_798 : vector<128xi1>, vector<128xi32>
    %swap3A_800 = arith.constant 3 : index
    %swap3A_801 = arith.constant 0 : index
    %swap3A_802 = vector.load %arg3[%swap3A_800, %swap3A_801] : memref<16x128xi32, #tpu.memory_space<vmem>>, vector<1x128xi32>
    %swap3A_803 = vector.shape_cast %swap3A_802 : vector<1x128xi32> to vector<128xi32>
    %swap3A_804 = vector.shape_cast %select_n3A_799 : vector<128xi32> to vector<1x128xi32>
    tpu.vector_store %arg3[%swap3A_800, %swap3A_801], %swap3A_804 {strides = array<i32>} : memref<16x128xi32, #tpu.memory_space<vmem>>, vector<1x128xi32>,
    %jit3A_805 = arith.constant 8192 : i32
    %broadcast_in_dim3A_806 = vector.broadcast %jit3A_805 : i32 to vector<128xi32>
    %select_n3A_807 = arith.select %lt3A_796, %reduce_min3A_792, %broadcast_in_dim3A_806 : vector<128xi1>, vector<128xi32>
    %swap3A_808 = arith.constant 3 : index
    %swap3A_809 = arith.constant 0 : index
    %swap3A_810 = vector.load %arg4[%swap3A_808, %swap3A_809] : memref<16x128xi32, #tpu.memory_space<vmem>>, vector<1x128xi32>
    %swap3A_811 = vector.shape_cast %swap3A_810 : vector<1x128xi32> to vector<128xi32>
    %swap3A_812 = vector.shape_cast %select_n3A_807 : vector<128xi32> to vector<1x128xi32>
    tpu.vector_store %arg4[%swap3A_808, %swap3A_809], %swap3A_812 {strides = array<i32>} : memref<16x128xi32, #tpu.memory_space<vmem>>, vector<1x128xi32>,
    %broadcast_in_dim3A_813 = vector.shape_cast %reduce_min3A_792 : vector<128xi32> to vector<128x1xi32>
    %eq3A_814 = vector.broadcast %broadcast_in_dim3A_813 : vector<128x1xi32> to vector<128x32xi32>
    %eq3A_815 = arith.cmpi eq, %stack3A_675, %eq3A_814 : vector<128x32xi32>
    %jit3A_816 = arith.constant 0x7F800000 : f32
    %broadcast_in_dim3A_817 = vector.broadcast %jit3A_816 : f32 to vector<128x32xf32>
    %select_n3A_818 = arith.select %eq3A_815, %broadcast_in_dim3A_817, %select_n3A_782 : vector<128x32xi1>, vector<128x32xf32>
    %reduce_min3A_819 = arith.constant dense<0x7F800000> : vector<128xf32>
    %reduce_min3A_820 = vector.multi_reduction <minimumf>, %select_n3A_818, %reduce_min3A_819 [1] : vector<128x32xf32> to vector<128xf32>
    %broadcast_in_dim3A_821 = vector.shape_cast %reduce_min3A_820 : vector<128xf32> to vector<128x1xf32>
    %eq3A_822 = vector.broadcast %broadcast_in_dim3A_821 : vector<128x1xf32> to vector<128x32xf32>
    %eq3A_823 = arith.cmpf oeq, %select_n3A_818, %eq3A_822 : vector<128x32xf32>
    %jit3A_824 = arith.constant 8192 : i32
    %broadcast_in_dim3A_825 = vector.broadcast %jit3A_824 : i32 to vector<128x32xi32>
    %select_n3A_826 = arith.select %eq3A_823, %stack3A_675, %broadcast_in_dim3A_825 : vector<128x32xi1>, vector<128x32xi32>
    %reduce_min3A_827 = arith.constant dense<2147483647> : vector<128xi32>
    %reduce_min3A_828 = vector.multi_reduction <minsi>, %select_n3A_826, %reduce_min3A_827 [1] : vector<128x32xi32> to vector<128xi32>
    %squeeze3A_829 = vector.shape_cast %broadcast_in_dim3A_821 : vector<128x1xf32> to vector<128xf32>
    %lt3A_830 = arith.constant 0x7F800000 : f32
    %lt3A_831 = vector.broadcast %lt3A_830 : f32 to vector<128xf32>
    %lt3A_832 = arith.cmpf olt, %squeeze3A_829, %lt3A_831 : vector<128xf32>
    %jit3A_833 = arith.constant 0 : i32
    %broadcast_in_dim3A_834 = vector.broadcast %jit3A_833 : i32 to vector<128xi32>
    %select_n3A_835 = arith.select %lt3A_832, %reduce_min3A_828, %broadcast_in_dim3A_834 : vector<128xi1>, vector<128xi32>
    %swap3A_836 = arith.constant 4 : index
    %swap3A_837 = arith.constant 0 : index
    %swap3A_838 = vector.load %arg3[%swap3A_836, %swap3A_837] : memref<16x128xi32, #tpu.memory_space<vmem>>, vector<1x128xi32>
    %swap3A_839 = vector.shape_cast %swap3A_838 : vector<1x128xi32> to vector<128xi32>
    %swap3A_840 = vector.shape_cast %select_n3A_835 : vector<128xi32> to vector<1x128xi32>
    tpu.vector_store %arg3[%swap3A_836, %swap3A_837], %swap3A_840 {strides = array<i32>} : memref<16x128xi32, #tpu.memory_space<vmem>>, vector<1x128xi32>,
    %jit3A_841 = arith.constant 8192 : i32
    %broadcast_in_dim3A_842 = vector.broadcast %jit3A_841 : i32 to vector<128xi32>
    %select_n3A_843 = arith.select %lt3A_832, %reduce_min3A_828, %broadcast_in_dim3A_842 : vector<128xi1>, vector<128xi32>
    %swap3A_844 = arith.constant 4 : index
    %swap3A_845 = arith.constant 0 : index
    %swap3A_846 = vector.load %arg4[%swap3A_844, %swap3A_845] : memref<16x128xi32, #tpu.memory_space<vmem>>, vector<1x128xi32>
    %swap3A_847 = vector.shape_cast %swap3A_846 : vector<1x128xi32> to vector<128xi32>
    %swap3A_848 = vector.shape_cast %select_n3A_843 : vector<128xi32> to vector<1x128xi32>
    tpu.vector_store %arg4[%swap3A_844, %swap3A_845], %swap3A_848 {strides = array<i32>} : memref<16x128xi32, #tpu.memory_space<vmem>>, vector<1x128xi32>,
    %broadcast_in_dim3A_849 = vector.shape_cast %reduce_min3A_828 : vector<128xi32> to vector<128x1xi32>
    %eq3A_850 = vector.broadcast %broadcast_in_dim3A_849 : vector<128x1xi32> to vector<128x32xi32>
    %eq3A_851 = arith.cmpi eq, %stack3A_675, %eq3A_850 : vector<128x32xi32>
    %jit3A_852 = arith.constant 0x7F800000 : f32
    %broadcast_in_dim3A_853 = vector.broadcast %jit3A_852 : f32 to vector<128x32xf32>
    %select_n3A_854 = arith.select %eq3A_851, %broadcast_in_dim3A_853, %select_n3A_818 : vector<128x32xi1>, vector<128x32xf32>
    %reduce_min3A_855 = arith.constant dense<0x7F800000> : vector<128xf32>
    %reduce_min3A_856 = vector.multi_reduction <minimumf>, %select_n3A_854, %reduce_min3A_855 [1] : vector<128x32xf32> to vector<128xf32>
    %broadcast_in_dim3A_857 = vector.shape_cast %reduce_min3A_856 : vector<128xf32> to vector<128x1xf32>
    %eq3A_858 = vector.broadcast %broadcast_in_dim3A_857 : vector<128x1xf32> to vector<128x32xf32>
    %eq3A_859 = arith.cmpf oeq, %select_n3A_854, %eq3A_858 : vector<128x32xf32>
    %jit3A_860 = arith.constant 8192 : i32
    %broadcast_in_dim3A_861 = vector.broadcast %jit3A_860 : i32 to vector<128x32xi32>
    %select_n3A_862 = arith.select %eq3A_859, %stack3A_675, %broadcast_in_dim3A_861 : vector<128x32xi1>, vector<128x32xi32>
    %reduce_min3A_863 = arith.constant dense<2147483647> : vector<128xi32>
    %reduce_min3A_864 = vector.multi_reduction <minsi>, %select_n3A_862, %reduce_min3A_863 [1] : vector<128x32xi32> to vector<128xi32>
    %squeeze3A_865 = vector.shape_cast %broadcast_in_dim3A_857 : vector<128x1xf32> to vector<128xf32>
    %lt3A_866 = arith.constant 0x7F800000 : f32
    %lt3A_867 = vector.broadcast %lt3A_866 : f32 to vector<128xf32>
    %lt3A_868 = arith.cmpf olt, %squeeze3A_865, %lt3A_867 : vector<128xf32>
    %jit3A_869 = arith.constant 0 : i32
    %broadcast_in_dim3A_870 = vector.broadcast %jit3A_869 : i32 to vector<128xi32>
    %select_n3A_871 = arith.select %lt3A_868, %reduce_min3A_864, %broadcast_in_dim3A_870 : vector<128xi1>, vector<128xi32>
    %swap3A_872 = arith.constant 5 : index
    %swap3A_873 = arith.constant 0 : index
    %swap3A_874 = vector.load %arg3[%swap3A_872, %swap3A_873] : memref<16x128xi32, #tpu.memory_space<vmem>>, vector<1x128xi32>
    %swap3A_875 = vector.shape_cast %swap3A_874 : vector<1x128xi32> to vector<128xi32>
    %swap3A_876 = vector.shape_cast %select_n3A_871 : vector<128xi32> to vector<1x128xi32>
    tpu.vector_store %arg3[%swap3A_872, %swap3A_873], %swap3A_876 {strides = array<i32>} : memref<16x128xi32, #tpu.memory_space<vmem>>, vector<1x128xi32>,
    %jit3A_877 = arith.constant 8192 : i32
    %broadcast_in_dim3A_878 = vector.broadcast %jit3A_877 : i32 to vector<128xi32>
    %select_n3A_879 = arith.select %lt3A_868, %reduce_min3A_864, %broadcast_in_dim3A_878 : vector<128xi1>, vector<128xi32>
    %swap3A_880 = arith.constant 5 : index
    %swap3A_881 = arith.constant 0 : index
    %swap3A_882 = vector.load %arg4[%swap3A_880, %swap3A_881] : memref<16x128xi32, #tpu.memory_space<vmem>>, vector<1x128xi32>
    %swap3A_883 = vector.shape_cast %swap3A_882 : vector<1x128xi32> to vector<128xi32>
    %swap3A_884 = vector.shape_cast %select_n3A_879 : vector<128xi32> to vector<1x128xi32>
    tpu.vector_store %arg4[%swap3A_880, %swap3A_881], %swap3A_884 {strides = array<i32>} : memref<16x128xi32, #tpu.memory_space<vmem>>, vector<1x128xi32>,
    %broadcast_in_dim3A_885 = vector.shape_cast %reduce_min3A_864 : vector<128xi32> to vector<128x1xi32>
    %eq3A_886 = vector.broadcast %broadcast_in_dim3A_885 : vector<128x1xi32> to vector<128x32xi32>
    %eq3A_887 = arith.cmpi eq, %stack3A_675, %eq3A_886 : vector<128x32xi32>
    %jit3A_888 = arith.constant 0x7F800000 : f32
    %broadcast_in_dim3A_889 = vector.broadcast %jit3A_888 : f32 to vector<128x32xf32>
    %select_n3A_890 = arith.select %eq3A_887, %broadcast_in_dim3A_889, %select_n3A_854 : vector<128x32xi1>, vector<128x32xf32>
    %reduce_min3A_891 = arith.constant dense<0x7F800000> : vector<128xf32>
    %reduce_min3A_892 = vector.multi_reduction <minimumf>, %select_n3A_890, %reduce_min3A_891 [1] : vector<128x32xf32> to vector<128xf32>
    %broadcast_in_dim3A_893 = vector.shape_cast %reduce_min3A_892 : vector<128xf32> to vector<128x1xf32>
    %eq3A_894 = vector.broadcast %broadcast_in_dim3A_893 : vector<128x1xf32> to vector<128x32xf32>
    %eq3A_895 = arith.cmpf oeq, %select_n3A_890, %eq3A_894 : vector<128x32xf32>
    %jit3A_896 = arith.constant 8192 : i32
    %broadcast_in_dim3A_897 = vector.broadcast %jit3A_896 : i32 to vector<128x32xi32>
    %select_n3A_898 = arith.select %eq3A_895, %stack3A_675, %broadcast_in_dim3A_897 : vector<128x32xi1>, vector<128x32xi32>
    %reduce_min3A_899 = arith.constant dense<2147483647> : vector<128xi32>
    %reduce_min3A_900 = vector.multi_reduction <minsi>, %select_n3A_898, %reduce_min3A_899 [1] : vector<128x32xi32> to vector<128xi32>
    %squeeze3A_901 = vector.shape_cast %broadcast_in_dim3A_893 : vector<128x1xf32> to vector<128xf32>
    %lt3A_902 = arith.constant 0x7F800000 : f32
    %lt3A_903 = vector.broadcast %lt3A_902 : f32 to vector<128xf32>
    %lt3A_904 = arith.cmpf olt, %squeeze3A_901, %lt3A_903 : vector<128xf32>
    %jit3A_905 = arith.constant 0 : i32
    %broadcast_in_dim3A_906 = vector.broadcast %jit3A_905 : i32 to vector<128xi32>
    %select_n3A_907 = arith.select %lt3A_904, %reduce_min3A_900, %broadcast_in_dim3A_906 : vector<128xi1>, vector<128xi32>
    %swap3A_908 = arith.constant 6 : index
    %swap3A_909 = arith.constant 0 : index
    %swap3A_910 = vector.load %arg3[%swap3A_908, %swap3A_909] : memref<16x128xi32, #tpu.memory_space<vmem>>, vector<1x128xi32>
    %swap3A_911 = vector.shape_cast %swap3A_910 : vector<1x128xi32> to vector<128xi32>
    %swap3A_912 = vector.shape_cast %select_n3A_907 : vector<128xi32> to vector<1x128xi32>
    tpu.vector_store %arg3[%swap3A_908, %swap3A_909], %swap3A_912 {strides = array<i32>} : memref<16x128xi32, #tpu.memory_space<vmem>>, vector<1x128xi32>,
    %jit3A_913 = arith.constant 8192 : i32
    %broadcast_in_dim3A_914 = vector.broadcast %jit3A_913 : i32 to vector<128xi32>
    %select_n3A_915 = arith.select %lt3A_904, %reduce_min3A_900, %broadcast_in_dim3A_914 : vector<128xi1>, vector<128xi32>
    %swap3A_916 = arith.constant 6 : index
    %swap3A_917 = arith.constant 0 : index
    %swap3A_918 = vector.load %arg4[%swap3A_916, %swap3A_917] : memref<16x128xi32, #tpu.memory_space<vmem>>, vector<1x128xi32>
    %swap3A_919 = vector.shape_cast %swap3A_918 : vector<1x128xi32> to vector<128xi32>
    %swap3A_920 = vector.shape_cast %select_n3A_915 : vector<128xi32> to vector<1x128xi32>
    tpu.vector_store %arg4[%swap3A_916, %swap3A_917], %swap3A_920 {strides = array<i32>} : memref<16x128xi32, #tpu.memory_space<vmem>>, vector<1x128xi32>,
    %broadcast_in_dim3A_921 = vector.shape_cast %reduce_min3A_900 : vector<128xi32> to vector<128x1xi32>
    %eq3A_922 = vector.broadcast %broadcast_in_dim3A_921 : vector<128x1xi32> to vector<128x32xi32>
    %eq3A_923 = arith.cmpi eq, %stack3A_675, %eq3A_922 : vector<128x32xi32>
    %jit3A_924 = arith.constant 0x7F800000 : f32
    %broadcast_in_dim3A_925 = vector.broadcast %jit3A_924 : f32 to vector<128x32xf32>
    %select_n3A_926 = arith.select %eq3A_923, %broadcast_in_dim3A_925, %select_n3A_890 : vector<128x32xi1>, vector<128x32xf32>
    %reduce_min3A_927 = arith.constant dense<0x7F800000> : vector<128xf32>
    %reduce_min3A_928 = vector.multi_reduction <minimumf>, %select_n3A_926, %reduce_min3A_927 [1] : vector<128x32xf32> to vector<128xf32>
    %broadcast_in_dim3A_929 = vector.shape_cast %reduce_min3A_928 : vector<128xf32> to vector<128x1xf32>
    %eq3A_930 = vector.broadcast %broadcast_in_dim3A_929 : vector<128x1xf32> to vector<128x32xf32>
    %eq3A_931 = arith.cmpf oeq, %select_n3A_926, %eq3A_930 : vector<128x32xf32>
    %jit3A_932 = arith.constant 8192 : i32
    %broadcast_in_dim3A_933 = vector.broadcast %jit3A_932 : i32 to vector<128x32xi32>
    %select_n3A_934 = arith.select %eq3A_931, %stack3A_675, %broadcast_in_dim3A_933 : vector<128x32xi1>, vector<128x32xi32>
    %reduce_min3A_935 = arith.constant dense<2147483647> : vector<128xi32>
    %reduce_min3A_936 = vector.multi_reduction <minsi>, %select_n3A_934, %reduce_min3A_935 [1] : vector<128x32xi32> to vector<128xi32>
    %squeeze3A_937 = vector.shape_cast %broadcast_in_dim3A_929 : vector<128x1xf32> to vector<128xf32>
    %lt3A_938 = arith.constant 0x7F800000 : f32
    %lt3A_939 = vector.broadcast %lt3A_938 : f32 to vector<128xf32>
    %lt3A_940 = arith.cmpf olt, %squeeze3A_937, %lt3A_939 : vector<128xf32>
    %jit3A_941 = arith.constant 0 : i32
    %broadcast_in_dim3A_942 = vector.broadcast %jit3A_941 : i32 to vector<128xi32>
    %select_n3A_943 = arith.select %lt3A_940, %reduce_min3A_936, %broadcast_in_dim3A_942 : vector<128xi1>, vector<128xi32>
    %swap3A_944 = arith.constant 7 : index
    %swap3A_945 = arith.constant 0 : index
    %swap3A_946 = vector.load %arg3[%swap3A_944, %swap3A_945] : memref<16x128xi32, #tpu.memory_space<vmem>>, vector<1x128xi32>
    %swap3A_947 = vector.shape_cast %swap3A_946 : vector<1x128xi32> to vector<128xi32>
    %swap3A_948 = vector.shape_cast %select_n3A_943 : vector<128xi32> to vector<1x128xi32>
    tpu.vector_store %arg3[%swap3A_944, %swap3A_945], %swap3A_948 {strides = array<i32>} : memref<16x128xi32, #tpu.memory_space<vmem>>, vector<1x128xi32>,
    %jit3A_949 = arith.constant 8192 : i32
    %broadcast_in_dim3A_950 = vector.broadcast %jit3A_949 : i32 to vector<128xi32>
    %select_n3A_951 = arith.select %lt3A_940, %reduce_min3A_936, %broadcast_in_dim3A_950 : vector<128xi1>, vector<128xi32>
    %swap3A_952 = arith.constant 7 : index
    %swap3A_953 = arith.constant 0 : index
    %swap3A_954 = vector.load %arg4[%swap3A_952, %swap3A_953] : memref<16x128xi32, #tpu.memory_space<vmem>>, vector<1x128xi32>
    %swap3A_955 = vector.shape_cast %swap3A_954 : vector<1x128xi32> to vector<128xi32>
    %swap3A_956 = vector.shape_cast %select_n3A_951 : vector<128xi32> to vector<1x128xi32>
    tpu.vector_store %arg4[%swap3A_952, %swap3A_953], %swap3A_956 {strides = array<i32>} : memref<16x128xi32, #tpu.memory_space<vmem>>, vector<1x128xi32>,
    %broadcast_in_dim3A_957 = vector.shape_cast %reduce_min3A_936 : vector<128xi32> to vector<128x1xi32>
    %eq3A_958 = vector.broadcast %broadcast_in_dim3A_957 : vector<128x1xi32> to vector<128x32xi32>
    %eq3A_959 = arith.cmpi eq, %stack3A_675, %eq3A_958 : vector<128x32xi32>
    %jit3A_960 = arith.constant 0x7F800000 : f32
    %broadcast_in_dim3A_961 = vector.broadcast %jit3A_960 : f32 to vector<128x32xf32>
    %select_n3A_962 = arith.select %eq3A_959, %broadcast_in_dim3A_961, %select_n3A_926 : vector<128x32xi1>, vector<128x32xf32>
    %reduce_min3A_963 = arith.constant dense<0x7F800000> : vector<128xf32>
    %reduce_min3A_964 = vector.multi_reduction <minimumf>, %select_n3A_962, %reduce_min3A_963 [1] : vector<128x32xf32> to vector<128xf32>
    %broadcast_in_dim3A_965 = vector.shape_cast %reduce_min3A_964 : vector<128xf32> to vector<128x1xf32>
    %eq3A_966 = vector.broadcast %broadcast_in_dim3A_965 : vector<128x1xf32> to vector<128x32xf32>
    %eq3A_967 = arith.cmpf oeq, %select_n3A_962, %eq3A_966 : vector<128x32xf32>
    %jit3A_968 = arith.constant 8192 : i32
    %broadcast_in_dim3A_969 = vector.broadcast %jit3A_968 : i32 to vector<128x32xi32>
    %select_n3A_970 = arith.select %eq3A_967, %stack3A_675, %broadcast_in_dim3A_969 : vector<128x32xi1>, vector<128x32xi32>
    %reduce_min3A_971 = arith.constant dense<2147483647> : vector<128xi32>
    %reduce_min3A_972 = vector.multi_reduction <minsi>, %select_n3A_970, %reduce_min3A_971 [1] : vector<128x32xi32> to vector<128xi32>
    %squeeze3A_973 = vector.shape_cast %broadcast_in_dim3A_965 : vector<128x1xf32> to vector<128xf32>
    %lt3A_974 = arith.constant 0x7F800000 : f32
    %lt3A_975 = vector.broadcast %lt3A_974 : f32 to vector<128xf32>
    %lt3A_976 = arith.cmpf olt, %squeeze3A_973, %lt3A_975 : vector<128xf32>
    %jit3A_977 = arith.constant 0 : i32
    %broadcast_in_dim3A_978 = vector.broadcast %jit3A_977 : i32 to vector<128xi32>
    %select_n3A_979 = arith.select %lt3A_976, %reduce_min3A_972, %broadcast_in_dim3A_978 : vector<128xi1>, vector<128xi32>
    %swap3A_980 = arith.constant 8 : index
    %swap3A_981 = arith.constant 0 : index
    %swap3A_982 = vector.load %arg3[%swap3A_980, %swap3A_981] : memref<16x128xi32, #tpu.memory_space<vmem>>, vector<1x128xi32>
    %swap3A_983 = vector.shape_cast %swap3A_982 : vector<1x128xi32> to vector<128xi32>
    %swap3A_984 = vector.shape_cast %select_n3A_979 : vector<128xi32> to vector<1x128xi32>
    tpu.vector_store %arg3[%swap3A_980, %swap3A_981], %swap3A_984 {strides = array<i32>} : memref<16x128xi32, #tpu.memory_space<vmem>>, vector<1x128xi32>,
    %jit3A_985 = arith.constant 8192 : i32
    %broadcast_in_dim3A_986 = vector.broadcast %jit3A_985 : i32 to vector<128xi32>
    %select_n3A_987 = arith.select %lt3A_976, %reduce_min3A_972, %broadcast_in_dim3A_986 : vector<128xi1>, vector<128xi32>
    %swap3A_988 = arith.constant 8 : index
    %swap3A_989 = arith.constant 0 : index
    %swap3A_990 = vector.load %arg4[%swap3A_988, %swap3A_989] : memref<16x128xi32, #tpu.memory_space<vmem>>, vector<1x128xi32>
    %swap3A_991 = vector.shape_cast %swap3A_990 : vector<1x128xi32> to vector<128xi32>
    %swap3A_992 = vector.shape_cast %select_n3A_987 : vector<128xi32> to vector<1x128xi32>
    tpu.vector_store %arg4[%swap3A_988, %swap3A_989], %swap3A_992 {strides = array<i32>} : memref<16x128xi32, #tpu.memory_space<vmem>>, vector<1x128xi32>,
    %broadcast_in_dim3A_993 = vector.shape_cast %reduce_min3A_972 : vector<128xi32> to vector<128x1xi32>
    %eq3A_994 = vector.broadcast %broadcast_in_dim3A_993 : vector<128x1xi32> to vector<128x32xi32>
    %eq3A_995 = arith.cmpi eq, %stack3A_675, %eq3A_994 : vector<128x32xi32>
    %jit3A_996 = arith.constant 0x7F800000 : f32
    %broadcast_in_dim3A_997 = vector.broadcast %jit3A_996 : f32 to vector<128x32xf32>
    %select_n3A_998 = arith.select %eq3A_995, %broadcast_in_dim3A_997, %select_n3A_962 : vector<128x32xi1>, vector<128x32xf32>
    %reduce_min3A_999 = arith.constant dense<0x7F800000> : vector<128xf32>
    %reduce_min3A_1000 = vector.multi_reduction <minimumf>, %select_n3A_998, %reduce_min3A_999 [1] : vector<128x32xf32> to vector<128xf32>
    %broadcast_in_dim3A_1001 = vector.shape_cast %reduce_min3A_1000 : vector<128xf32> to vector<128x1xf32>
    %eq3A_1002 = vector.broadcast %broadcast_in_dim3A_1001 : vector<128x1xf32> to vector<128x32xf32>
    %eq3A_1003 = arith.cmpf oeq, %select_n3A_998, %eq3A_1002 : vector<128x32xf32>
    %jit3A_1004 = arith.constant 8192 : i32
    %broadcast_in_dim3A_1005 = vector.broadcast %jit3A_1004 : i32 to vector<128x32xi32>
    %select_n3A_1006 = arith.select %eq3A_1003, %stack3A_675, %broadcast_in_dim3A_1005 : vector<128x32xi1>, vector<128x32xi32>
    %reduce_min3A_1007 = arith.constant dense<2147483647> : vector<128xi32>
    %reduce_min3A_1008 = vector.multi_reduction <minsi>, %select_n3A_1006, %reduce_min3A_1007 [1] : vector<128x32xi32> to vector<128xi32>
    %squeeze3A_1009 = vector.shape_cast %broadcast_in_dim3A_1001 : vector<128x1xf32> to vector<128xf32>
    %lt3A_1010 = arith.constant 0x7F800000 : f32
    %lt3A_1011 = vector.broadcast %lt3A_1010 : f32 to vector<128xf32>
    %lt3A_1012 = arith.cmpf olt, %squeeze3A_1009, %lt3A_1011 : vector<128xf32>
    %jit3A_1013 = arith.constant 0 : i32
    %broadcast_in_dim3A_1014 = vector.broadcast %jit3A_1013 : i32 to vector<128xi32>
    %select_n3A_1015 = arith.select %lt3A_1012, %reduce_min3A_1008, %broadcast_in_dim3A_1014 : vector<128xi1>, vector<128xi32>
    %swap3A_1016 = arith.constant 9 : index
    %swap3A_1017 = arith.constant 0 : index
    %swap3A_1018 = vector.load %arg3[%swap3A_1016, %swap3A_1017] : memref<16x128xi32, #tpu.memory_space<vmem>>, vector<1x128xi32>
    %swap3A_1019 = vector.shape_cast %swap3A_1018 : vector<1x128xi32> to vector<128xi32>
    %swap3A_1020 = vector.shape_cast %select_n3A_1015 : vector<128xi32> to vector<1x128xi32>
    tpu.vector_store %arg3[%swap3A_1016, %swap3A_1017], %swap3A_1020 {strides = array<i32>} : memref<16x128xi32, #tpu.memory_space<vmem>>, vector<1x128xi32>,
    %jit3A_1021 = arith.constant 8192 : i32
    %broadcast_in_dim3A_1022 = vector.broadcast %jit3A_1021 : i32 to vector<128xi32>
    %select_n3A_1023 = arith.select %lt3A_1012, %reduce_min3A_1008, %broadcast_in_dim3A_1022 : vector<128xi1>, vector<128xi32>
    %swap3A_1024 = arith.constant 9 : index
    %swap3A_1025 = arith.constant 0 : index
    %swap3A_1026 = vector.load %arg4[%swap3A_1024, %swap3A_1025] : memref<16x128xi32, #tpu.memory_space<vmem>>, vector<1x128xi32>
    %swap3A_1027 = vector.shape_cast %swap3A_1026 : vector<1x128xi32> to vector<128xi32>
    %swap3A_1028 = vector.shape_cast %select_n3A_1023 : vector<128xi32> to vector<1x128xi32>
    tpu.vector_store %arg4[%swap3A_1024, %swap3A_1025], %swap3A_1028 {strides = array<i32>} : memref<16x128xi32, #tpu.memory_space<vmem>>, vector<1x128xi32>,
    return
  }
  func.func @transform_0(%arg0: i32) -> (i32, i32) {
    %c0_i32 = arith.constant 0 : i32
    %c0_i32_0 = arith.constant 0 : i32
    return %arg0, %c0_i32 : i32, i32
  }
  func.func @transform_1(%arg0: i32) -> (i32, i32) {
    %c0_i32 = arith.constant 0 : i32
    %c0_i32_0 = arith.constant 0 : i32
    %c0_i32_1 = arith.constant 0 : i32
    return %c0_i32, %c0_i32_0 : i32, i32
  }
  func.func @transform_2(%arg0: i32) -> (i32, i32) {
    %c0_i32 = arith.constant 0 : i32
    %c0_i32_0 = arith.constant 0 : i32
    return %c0_i32, %arg0 : i32, i32
  }
  func.func @transform_3(%arg0: i32) -> (i32, i32) {
    %c0_i32 = arith.constant 0 : i32
    %c0_i32_0 = arith.constant 0 : i32
    return %c0_i32, %arg0 : i32, i32
  }
}

</mosaic_0001>

<sc_bundles>
// kernel: kernel.4.cloned.1.call-start
scs
__scs_entry_jumppad:
0x0: {  	(pc) =	sbr.rel $0x88, $3  }
0x1: {  	(tag) =	ssettag $0x0;
	lr =	simm.s32 $0x1  }
0x2: {  	[smem:$0x3F9F] =	sst lr;
	_ =	strace $0xD0000000  }
0x3: {  	_ = 	snop  }
0x4: {  	_ = 	snop  }
0x5: {  	_ = 	snop  }
0x6: {  	_ = 	snop  }
0x7: {  	_ = 	snop  }
__scs_overlays_trampoline_lowered:
0x8: {  	[smem:$0x3FAE] =	sst s0  }
0x9: {  	[smem:$0x3FAF] =	sst s1  }
0xa: {  	[smem:$0x3FB0] =	sst s2  }
0xb: {  	[smem:$0x3FB1] =	sst s3  }
0xc: {  	[smem:$0x3FB2] =	sst s4  }
0xd: {  	[smem:$0x3FB3] =	sst s5  }
0xe: {  	[smem:$0x3FB4] =	sst s6  }
0xf: {  	[smem:$0x3FB5] =	sst s7  }
0x10: {  	[smem:$0x3FB6] =	sst s8  }
0x11: {  	[smem:$0x3FB7] =	sst s9;
	s0 =	simm.s32 @!p0 $0x0  }
0x12: {  	s1 =	sld [smem:$0x3F9D];
	s0 =	simm.s32 @p0 $0x1  }
0x13: {  	[smem:$0x3FB8] =	sst s0;
	s0 =	simm.s32 @!p1 $0x0  }
0x14: {  	s2 =	sld [smem:$0x3F9C];
	s0 =	simm.s32 @p1 $0x1  }
0x15: {  	[smem:$0x3FB9] =	sst s0;
	s0 =	simm.s32 @!p2 $0x0  }
0x16: {  	s3 =	sld [smem:$0x3FDB];
	s0 =	simm.s32 @p2 $0x1  }
0x17: {  	s4 =	simm.s32 $0x1BF5;
	[smem:$0x3FBB] =	sst s0  }
0x18: {  	s0 =	sld [smem:$0x3F9E];
	_ =	swait.ge [sflag:s4], $0x0  }
0x19: {  	s7 =	sld [smem:$0x3F9F]  }
0x1a: {  	s8 =	sadd.s32 $0xFFFFE003, lr  }
0x1b: {  	s9 =	sadd.s32 $0xFFFFFEF7, lr;
	s5 =	simm.s32 $0xFFFFFFFF;
	p2 =	slt.u32 s8, $0xFFFFF086  }
0x1c: {  	p1 =	slt.u32 s9, $0xF7A;
	s5 =	simm.s32 @!p2 $0x0  }
0x1d: {  	s5 =	simm.s32 @p1 $0x1;
	p0 =	seq.s32 s7, s2  }
0x1e: {  	s7 =	smul.u32 @!p0 $0xF7A, s2;
	p2 =	seq.s32 @!p0 s5, $0x0  }
0x1f: {  	s9 =	smul.u32 $0xF7A, s1;
	s8 =	simm.s32 @!p0 $0x1BF5;
	p2 =	por !p2, p0  }
0x20: {  	[sflag:s8] =	ssyncset.s32 @!p0 $0xFFFFF086;
	s6 =	sadd.s32 @!p0 s3, s7;
	s7 =	simm.s32 @!p0 $0x108  }
0x21: {  	s3 =	sadd.s32 s3, s9;
	s6 =	sadd.s32 @!p0 $0x88, s6;
	s7 =	simm.s32 @p2 $0x1082  }
0x22: {  	[simem:s7], [sflag:s8] =	dma.local @!p0 [hbm:s6], $0xF7A  }
0x23: {  	s9 =	sor.u32 $0xD0000000, s2;
	s6 =	simm.s32 $0x108;
	_ =	swait.ge @!p0 [sflag:s8], $0x0  }
0x24: {  	s3 =	sadd.s32 $0x88, s3;
	s6 =	simm.s32 @!p1 $0x1082;
	[sflag:s4] =	ssyncset.s32 $0xFFFFF086  }
0x25: {  	[simem:s6], [sflag:s4] =	dma.local [hbm:s3], $0xF7A  }
0x26: {  	[smem:$0x3F9F] =	sst s1;
	(tag) =	ssettag s2;
	_ =	strace s9  }
0x27: {  	s1 =	sld [smem:$0x3FAF]  }
0x28: {  	s2 =	sld [smem:$0x3FB0]  }
0x29: {  	s4 =	sld [smem:$0x3FB2]  }
0x2a: {  	p0 =	seq.s32 s5, $0x0;
	s5 =	sld [smem:$0x3FB3]  }
0x2b: {  	s6 =	sld [smem:$0x3FB4]  }
0x2c: {  	s7 =	sld [smem:$0x3FB5]  }
0x2d: {  	s3 =	simm.s32 $0x108;
	s8 =	sld [smem:$0x3FB6]  }
0x2e: {  	s3 =	simm.s32 @!p0 $0x1082;
	s9 =	sld [smem:$0x3FB7]  }
0x2f: {  	lr =	sadd.s32 s0, s3;
	s0 =	sld [smem:$0x3FAE]  }
0x30: {  	s3 =	sld [smem:$0x3FB1]  }
0x31: {  	[smem:$0x3FBA] =	sst s10  }
0x32: {  	s10 =	sld [smem:$0x3FB8];
	_ =	sdelay $0x3  }
0x33: {  	p0 =	seq.s32 s10, $0x1;
	s10 =	sld [smem:$0x3FBA];
	_ =	sdelay $0x3  }
0x34: {  	[smem:$0x3FBA] =	sst s10  }
0x35: {  	s10 =	sld [smem:$0x3FB9];
	_ =	sdelay $0x3  }
0x36: {  	p1 =	seq.s32 s10, $0x1;
	s10 =	sld [smem:$0x3FBA];
	_ =	sdelay $0x3  }
0x37: {  	[smem:$0x3FBA] =	sst s10  }
0x38: {  	s10 =	sld [smem:$0x3FBB]  }
0x39: {  	_ = 	snop;
	(pc) =	sbr.ind lr, $3  }
0x3a: {  	_ = 	snop  }
0x3b: {  	_ = 	snop  }
0x3c: {  	p2 =	seq.s32 s10, $0x1;
	s10 =	sld [smem:$0x3FBA]  }
0x3d: {  	_ =	shalt  }
0x3e: {  	_ =	shalt  }
0x3f: {  	_ =	shalt  }
0x40: {  	_ =	shalt  }
0x41: {  	_ =	shalt  }
0x42: {  	_ =	shalt  }
0x43: {  	_ =	shalt  }
0x44: {  	_ =	shalt  }
0x45: {  	_ =	shalt  }
0x46: {  	_ =	shalt  }
0x47: {  	_ =	shalt  }
0x48: {  	_ =	shalt  }
0x49: {  	_ =	shalt  }
0x4a: {  	_ =	shalt  }
0x4b: {  	_ =	shalt  }
0x4c: {  	_ =	shalt  }
0x4d: {  	_ =	shalt  }
0x4e: {  	_ =	shalt  }
0x4f: {  	_ =	shalt  }
0x50: {  	_ =	shalt  }
0x51: {  	_ =	shalt  }
0x52: {  	_ =	shalt  }
0x53: {  	_ =	shalt  }
0x54: {  	_ =	shalt  }
0x55: {  	_ =	shalt  }
0x56: {  	_ =	shalt  }
0x57: {  	_ =	shalt  }
0x58: {  	_ =	shalt  }
0x59: {  	_ =	shalt  }
0x5a: {  	_ =	shalt  }
0x5b: {  	_ =	shalt  }
0x5c: {  	_ =	shalt  }
0x5d: {  	_ =	shalt  }
0x5e: {  	_ =	shalt  }
0x5f: {  	_ =	shalt  }
0x60: {  	_ =	shalt  }
0x61: {  	_ =	shalt  }
0x62: {  	_ =	shalt  }
0x63: {  	_ =	shalt  }
0x64: {  	_ =	shalt  }
0x65: {  	_ =	shalt  }
0x66: {  	_ =	shalt  }
0x67: {  	_ =	shalt  }
0x68: {  	_ =	shalt  }
0x69: {  	_ =	shalt  }
0x6a: {  	_ =	shalt  }
0x6b: {  	_ =	shalt  }
0x6c: {  	_ =	shalt  }
0x6d: {  	_ =	shalt  }
0x6e: {  	_ =	shalt  }
0x6f: {  	_ =	shalt  }
0x70: {  	_ =	shalt  }
0x71: {  	_ =	shalt  }
0x72: {  	_ =	shalt  }
0x73: {  	_ =	shalt  }
0x74: {  	_ =	shalt  }
0x75: {  	_ =	shalt  }
0x76: {  	_ =	shalt  }
0x77: {  	_ =	shalt  }
0x78: {  	_ =	shalt  }
0x79: {  	_ =	shalt  }
0x7a: {  	_ =	shalt  }
0x7b: {  	_ =	shalt  }
0x7c: {  	_ =	shalt  }
0x7d: {  	_ =	shalt  }
0x7e: {  	_ =	shalt  }
0x7f: {  	_ =	shalt  }
0x80: {  	_ =	shalt  }
0x81: {  	_ =	shalt  }
0x82: {  	_ =	shalt  }
0x83: {  	_ =	shalt  }
0x84: {  	_ =	shalt  }
0x85: {  	_ =	shalt  }
0x86: {  	_ =	shalt  }
0x87: {  	_ =	shalt  }
.Lfunc_end0:
.L_simem_size_0:
called_computation_lowered:
.L_overlay_start_0:
0x88: {  	s2 =	sld [smem:$0x3FD9]  }
0x89: {  	s3 =	sld [smem:$0x3FFE];
	_ =	sdelay $0x1  }
0x8a: {  	s1 =	srdreg.scid  }
0x8b: {  	s0 =	sand.u32 $0x1, s1  }
0x8c: {  	s14 =	sshll.u32 s0, $0xA;
	s2 =	sadd.s32 s3, s2  }
0x8d: {  	s2 =	sadd.s32 s2, s14  }
0x8e: {  	[smem:$0x3FC6] =	sst s2  }
0x8f: {  	_ = 	snop  }
0x90: {  	s2 =	sld [smem:$0x3FD0];
	_ =	sdelay $0x2  }
0x91: {  	s15 =	simm.s32 $0xA;
	s4 =	simm.s32 $0x10  }
0x92: {  	[smem:s4], [sflag:s15] =	dma.local [hbm:s2], $0x1  }
0x93: {  	_ =	swait.eq [sflag:s15], $0x1  }
0x94: {  	[sflag:s15] =	ssyncset.done $0x0  }
0x95: {  	[sflag:s15] =	ssyncadd.s32 $0xFFFFFFFF  }
0x96: {  	s16 =	sld [smem:$0x11];
	(tm) =	ssettm $0x1  }
0x97: {  	s17 =	sld [smem:$0x3FFB];
	_ =	sdelay $0x3  }
0x98: {  	_ =	strace s17  }
0x99: {  	s3 =	sld [smem:$0x3FFC];
	_ =	sdelay $0x3  }
0x9a: {  	_ =	strace s3  }
0x9b: {  	s3 =	sld [smem:$0x3FFD];
	_ =	sdelay $0x3  }
0x9c: {  	_ =	strace s3  }
0x9d: {  	_ =	strace $0x8FFFFFFF  }
0x9e: {  	s18 =	sld [smem:$0x3FDB];
	_ =	sdelay $0x1  }
0x9f: {  	s19 =	simm.s32 $_scs_section_size  }
0xa0: {  	s5 =	simm.s32 $_size__tile_overlayer_lowered;
	s6 =	simm.s32 $_tile_overlayer_lowered  }
0xa1: {  	s22 =	simm.s32 $0x1BFF;
	s21 =	sshll.u32 s6, $0x1;
	s3 =	sadd.s32 s19, s18  }
0xa2: {  	s7 =	simm.s32 $0x0;
	s20 =	sshll.u32 s5, $0x1;
	s5 =	sadd.s32 s21, s3  }
0xa3: {  	[timem:s7], [sflag:s22] =	dma.local [hbm:s5], s20  }
0xa4: {  	_ =	swait.ge [sflag:s22], s20  }
0xa5: {  	s4 =	ssub.s32 $0x0, s20;
	[sflag:s22] =	ssyncset.done $0x0  }
0xa6: {  	[sflag:s22] =	ssyncadd.s32 s4;
	_ =	sdelay $0x1  }
0xa7: {  	s23 =	simm.s32 $0x1B8B  }
0xa8: {  	_ =	swait.ge [sflag:s23], $0x1  }
0xa9: {  	[sflag:s23] =	ssyncset.done $0x0  }
0xaa: {  	s25 =	simm.s32 $0x1B8E;
	s24 =	sld [smem:$0x3FFE];
	[sflag:s23] =	ssyncadd.s32 $0xFFFFFFFF  }
0xab: {  	s26 =	simm.s32 $execute0_lowered;
	[smem:$0x3FD2] =	sst s25  }
0xac: {  	s5 =	sshll.u32 s26, $0x1;
	_ =	strace $0x80000046;
	[dreg:$0x1] =	wrdreg $0xFFFFFFFF  }
0xad: {  	s28 =	simm.s32 $_size_execute0_lowered;
	s3 =	sadd.s32 s3, s5;
	[dreg:$0x0] =	wrdreg $0x0  }
0xae: {  	s5 =	sshll.u32 s28, $0x1;
	[dreg:$0x2] =	wrdreg s3  }
0xaf: {  	[dreg:$0x3] =	wrdreg s5  }
0xb0: {  	[dreg:$0x4] =	wrdreg $0xC0  }
0xb1: {  	_ =	task [dreg:s7], $0x5FFFF  }
0xb2: {  	[dreg:$0x1] =	wrdreg $0xFFFFFFFF  }
0xb3: {  	[dreg:$0x0] =	wrdreg $0x60  }
0xb4: {  	[dreg:$0x2] =	wrdreg s24  }
0xb5: {  	[dreg:$0x3] =	wrdreg s16  }
0xb6: {  	[dreg:$0x4] =	wrdreg $0x9  }
0xb7: {  	_ =	task.clear_ibuf [dreg:s7], $0x5FFFF;
	_ =	strace $0x90000046  }
0xb8: {  	s29 =	simm.s32 $0x9;
	_ =	strace $0x80000048  }
0xb9: {  	_ =	swait.ge [sflag:s29], $0x1  }
0xba: {  	[sflag:s29] =	ssyncadd.s32 $0xFFFFFFFF  }
0xbb: {  	_ =	strace $0x90000048  }
0xbc: {  	_ =	sfence  }
0xbd: {  	s30 =	sld [smem:$0x0];
	_ =	sdelay $0x2  }
0xbe: {  	s31 =	sshll.u32 s1, $0xD;
	s1 =	sshrl.u32 s1, $0x2  }
0xbf: {  	s3 =	sand.u32 $0x4000, s31;
	s1 =	sadd.s32 s1, s30  }
0xc0: {  	s0 =	sor.u32 s3, s0;
	s1 =	sshll.u32 s1, $0x11  }
0xc1: {  	s0 =	sor.u32 s1, s0  }
0xc2: {  	s0 =	sadd.s32 $0x8F2B, s0  }
0xc3: {  	[sflag:s0] =	ssyncadd.remote.s32 $0x1  }
0xc4: {  	_ =	sfence.sel $0xFFFF  }
0xc5: {  	[dreg:$0x0] =	wrdreg $0xFFFFFFFF;
	(pc) =	sbr.abs _section_cstart, $3  }
0xc6: {  	[dreg:$0x1] =	wrdreg $0xFFFFFFFF  }
0xc7: {  	_ =	task.clear_ibuf [dreg:s7], $0x2FFFF;
	_ =	strace $0x9FFFFFFF  }
0xc8: {  	(tm) =	ssettm $0x7FFFFFFF  }
0xc9: {  	_ =	shalt  }
tec
execute0_lowered:
.L_overlay_start_1:
0x0: {  	(tag) =	ssettag $0x1  }
0x1: {  	s1 =	srdreg.scid;
	s0 =	stileid.u32  }
0x2: {  	s26 =	rddreg [dreg:$0x0];
	s24 =	sand.u32 $0x1, s1;
	s31 =	sshll.u32 s0, $0x1  }
0x3: {  	s3 =	rddreg [dreg:$0x1];
	s25 =	sor.u32 s24, s31  }
0x4: {  	s2 =	simm.s32 $0x0;
	s1 =	rddreg [dreg:$0x2];
	s4 =	smul.u32 $0xA0, s25  }
0x5: {  	[smem:$0x7FF] =	sst s2  }
0x6: {  	_ =	strace $0x80000047;
	s4 =	sadd.s32 s3, s4;
	s3 =	simm.s32 $0x2  }
0x7: {  	[tilespmem:s2], [sflag:$0x2] =	stream.linear.gather [hbm4b:s4+s2], $0x500, $0x38;
	[tilespmem:$0x5500] =	vst v63  }
0x8: {  	_ =	swait.ge [sflag:s3], $0x500  }
0x9: {  	s6 =	simm.s32 $0x80;
	s7 =	simm.s32 $0x500;
	[sflag:s3] =	ssyncset.done $0x0  }
0xa: {  	s8 =	simm.s32 $0x1;
	s5 =	sadd.s32 $0x600, s26;
	[sflag:s3] =	ssyncadd.s32 $0xFFFFFB00  }
0xb: {  	[tilespmem:s7], [sflag:$0x1] =	stream.indirect.gather [hbm4b:s5+s6], $0x10, s2, s6, $0xb8;
	[tilespmem:$0x5500] =	vst v63  }
0xc: {  	_ =	swait.ge [sflag:s8], $0x800  }
0xd: {  	[sflag:s8] =	ssyncset.done $0x0  }
0xe: {  	s9 =	simm.s32 $0xD00;
	[sflag:s8] =	ssyncadd.s32 $0xFFFFF800  }
0xf: {  	[tilespmem:s9], [sflag:$0x1] =	stream.indirect.gather [hbm4b:s5+s6], $0x10, s6, s6, $0xb8;
	[tilespmem:$0x5500] =	vst v63  }
0x10: {  	_ =	swait.ge [sflag:s8], $0x800  }
0x11: {  	[sflag:s8] =	ssyncset.done $0x0  }
0x12: {  	s10 =	simm.s32 $0x100;
	s11 =	simm.s32 $0x1500;
	[sflag:s8] =	ssyncadd.s32 $0xFFFFF800  }
0x13: {  	[tilespmem:s11], [sflag:$0x1] =	stream.indirect.gather [hbm4b:s5+s6], $0x10, s10, s6, $0xb8;
	[tilespmem:$0x5500] =	vst v63  }
0x14: {  	_ =	swait.ge [sflag:s8], $0x800  }
0x15: {  	[sflag:s8] =	ssyncset.done $0x0  }
0x16: {  	s12 =	simm.s32 $0x180;
	s13 =	simm.s32 $0x1D00;
	[sflag:s8] =	ssyncadd.s32 $0xFFFFF800  }
0x17: {  	[tilespmem:s13], [sflag:$0x1] =	stream.indirect.gather [hbm4b:s5+s6], $0x10, s12, s6, $0xb8;
	[tilespmem:$0x5500] =	vst v63  }
0x18: {  	_ =	swait.ge [sflag:s8], $0x800  }
0x19: {  	[sflag:s8] =	ssyncset.done $0x0  }
0x1a: {  	s14 =	simm.s32 $0x200;
	s15 =	simm.s32 $0x2500;
	[sflag:s8] =	ssyncadd.s32 $0xFFFFF800  }
0x1b: {  	[tilespmem:s15], [sflag:$0x1] =	stream.indirect.gather [hbm4b:s5+s6], $0x10, s14, s6, $0xb8;
	[tilespmem:$0x5500] =	vst v63  }
0x1c: {  	_ =	swait.ge [sflag:s8], $0x800  }
0x1d: {  	[sflag:s8] =	ssyncset.done $0x0  }
0x1e: {  	s16 =	simm.s32 $0x280;
	s17 =	simm.s32 $0x2D00;
	[sflag:s8] =	ssyncadd.s32 $0xFFFFF800  }
0x1f: {  	[tilespmem:s17], [sflag:$0x1] =	stream.indirect.gather [hbm4b:s5+s6], $0x10, s16, s6, $0xb8;
	[tilespmem:$0x5500] =	vst v63  }
0x20: {  	_ =	swait.ge [sflag:s8], $0x800  }
0x21: {  	[sflag:s8] =	ssyncset.done $0x0  }
0x22: {  	s18 =	simm.s32 $0x300;
	s19 =	simm.s32 $0x3500;
	[sflag:s8] =	ssyncadd.s32 $0xFFFFF800  }
0x23: {  	[tilespmem:s19], [sflag:$0x1] =	stream.indirect.gather [hbm4b:s5+s6], $0x10, s18, s6, $0xb8;
	[tilespmem:$0x5500] =	vst v63  }
0x24: {  	_ =	swait.ge [sflag:s8], $0x800  }
0x25: {  	[sflag:s8] =	ssyncset.done $0x0  }
0x26: {  	s20 =	simm.s32 $0x380;
	s21 =	simm.s32 $0x3D00;
	[sflag:s8] =	ssyncadd.s32 $0xFFFFF800  }
0x27: {  	[tilespmem:s21], [sflag:$0x1] =	stream.indirect.gather [hbm4b:s5+s6], $0x10, s20, s6, $0xb8;
	[tilespmem:$0x5500] =	vst v63  }
0x28: {  	_ =	swait.ge [sflag:s8], $0x800  }
0x29: {  	s22 =	simm.s32 $0x400;
	s23 =	simm.s32 $0x4500;
	[sflag:s8] =	ssyncset.done $0x0  }
0x2a: {  	s29 =	ssub.s32 $0x2, s24;
	s28 =	smul.u32 $0xA00, s25;
	[sflag:s8] =	ssyncadd.s32 $0xFFFFF800  }
0x2b: {  	[tilespmem:s23], [sflag:$0x1] =	stream.indirect.gather [hbm4b:s5+s6], $0x10, s22, s6, $0xb8;
	[tilespmem:$0x5500] =	vst v63  }
0x2c: {  	s24 =	simm.s32 $0x480;
	s30 =	sshrl.u32 s29, $0x1;
	_ =	swait.ge [sflag:s8], $0x800  }
0x2d: {  	s26 =	sadd.s32 s28, s26;
	s28 =	ssub.s32 s29, s30;
	[sflag:s8] =	ssyncset.done $0x0  }
0x2e: {  	s25 =	simm.s32 $0x4D00;
	s28 =	smax.u32 s28, $0x1;
	[sflag:s8] =	ssyncadd.s32 $0xFFFFF800  }
0x2f: {  	[tilespmem:s25], [sflag:$0x1] =	stream.indirect.gather [hbm4b:s5+s6], $0x10, s24, s6, $0xb8;
	[tilespmem:$0x5500] =	vst v63  }
0x30: {  	p0 =	sne.s32 s28, $0x1;
	_ =	swait.ge [sflag:s8], $0x800  }
.Ltmp0:
0x31: {  	[sflag:s8] =	ssyncset.done $0x0;
	(pc) =	sbr.rel @!p0 .LBB2_2-.Ltmp0, $4  }
0x32: {  	s26 =	sadd.s32 $0x4800, s26;
	[sflag:s8] =	ssyncadd.s32 $0xFFFFF800  }
0x33: {  	[hbm4b:s26+s2] =	stream.linear.scatter [tilespmem:s7], [sflag:$0x2], $0x5000, $0x38;
	[tilespmem:$0x5500] =	vst v63  }
0x34: {  	_ =	swait.ge [sflag:s3], $0x5000  }
0x35: {  	s28 =	sadd.s32 $0xFFFFFFFF, s28;
	[sflag:s3] =	ssyncset.done $0x0  }
.LBB2_1:
0x36: {  	p0 =	sne.s32 s28, $0x1;
	s28 =	sadd.s32 $0xFFFFFFFF, s28;
	[sflag:s3] =	ssyncadd.s32 $0xFFFFB000  }
0x37: {  	[tilespmem:s2], [sflag:$0x2] =	stream.linear.gather [hbm4b:s4+s2], $0x500, $0x38;
	[tilespmem:$0x5500] =	vst v63  }
0x38: {  	_ =	swait.ge [sflag:s3], $0x500  }
0x39: {  	[sflag:s3] =	ssyncset.done $0x0  }
0x3a: {  	[sflag:s3] =	ssyncadd.s32 $0xFFFFFB00  }
0x3b: {  	[tilespmem:s7], [sflag:$0x1] =	stream.indirect.gather [hbm4b:s5+s6], $0x10, s2, s6, $0xb8;
	[tilespmem:$0x5500] =	vst v63  }
0x3c: {  	_ =	swait.ge [sflag:s8], $0x800  }
0x3d: {  	[sflag:s8] =	ssyncset.done $0x0  }
0x3e: {  	[sflag:s8] =	ssyncadd.s32 $0xFFFFF800  }
0x3f: {  	[tilespmem:s9], [sflag:$0x1] =	stream.indirect.gather [hbm4b:s5+s6], $0x10, s6, s6, $0xb8;
	[tilespmem:$0x5500] =	vst v63  }
0x40: {  	_ =	swait.ge [sflag:s8], $0x800  }
0x41: {  	[sflag:s8] =	ssyncset.done $0x0  }
0x42: {  	[sflag:s8] =	ssyncadd.s32 $0xFFFFF800  }
0x43: {  	[tilespmem:s11], [sflag:$0x1] =	stream.indirect.gather [hbm4b:s5+s6], $0x10, s10, s6, $0xb8;
	[tilespmem:$0x5500] =	vst v63  }
0x44: {  	_ =	swait.ge [sflag:s8], $0x800  }
0x45: {  	[sflag:s8] =	ssyncset.done $0x0  }
0x46: {  	[sflag:s8] =	ssyncadd.s32 $0xFFFFF800  }
0x47: {  	[tilespmem:s13], [sflag:$0x1] =	stream.indirect.gather [hbm4b:s5+s6], $0x10, s12, s6, $0xb8;
	[tilespmem:$0x5500] =	vst v63  }
0x48: {  	_ =	swait.ge [sflag:s8], $0x800  }
0x49: {  	[sflag:s8] =	ssyncset.done $0x0  }
0x4a: {  	[sflag:s8] =	ssyncadd.s32 $0xFFFFF800  }
0x4b: {  	[tilespmem:s15], [sflag:$0x1] =	stream.indirect.gather [hbm4b:s5+s6], $0x10, s14, s6, $0xb8;
	[tilespmem:$0x5500] =	vst v63  }
0x4c: {  	_ =	swait.ge [sflag:s8], $0x800  }
0x4d: {  	[sflag:s8] =	ssyncset.done $0x0  }
0x4e: {  	[sflag:s8] =	ssyncadd.s32 $0xFFFFF800  }
0x4f: {  	[tilespmem:s17], [sflag:$0x1] =	stream.indirect.gather [hbm4b:s5+s6], $0x10, s16, s6, $0xb8;
	[tilespmem:$0x5500] =	vst v63  }
0x50: {  	_ =	swait.ge [sflag:s8], $0x800  }
0x51: {  	[sflag:s8] =	ssyncset.done $0x0  }
0x52: {  	[sflag:s8] =	ssyncadd.s32 $0xFFFFF800  }
0x53: {  	[tilespmem:s19], [sflag:$0x1] =	stream.indirect.gather [hbm4b:s5+s6], $0x10, s18, s6, $0xb8;
	[tilespmem:$0x5500] =	vst v63  }
0x54: {  	_ =	swait.ge [sflag:s8], $0x800  }
0x55: {  	[sflag:s8] =	ssyncset.done $0x0  }
0x56: {  	[sflag:s8] =	ssyncadd.s32 $0xFFFFF800  }
0x57: {  	[tilespmem:s21], [sflag:$0x1] =	stream.indirect.gather [hbm4b:s5+s6], $0x10, s20, s6, $0xb8;
	[tilespmem:$0x5500] =	vst v63  }
0x58: {  	_ =	swait.ge [sflag:s8], $0x800  }
0x59: {  	[sflag:s8] =	ssyncset.done $0x0  }
0x5a: {  	[sflag:s8] =	ssyncadd.s32 $0xFFFFF800  }
0x5b: {  	[tilespmem:s23], [sflag:$0x1] =	stream.indirect.gather [hbm4b:s5+s6], $0x10, s22, s6, $0xb8;
	[tilespmem:$0x5500] =	vst v63  }
0x5c: {  	_ =	swait.ge [sflag:s8], $0x800  }
0x5d: {  	[sflag:s8] =	ssyncset.done $0x0  }
0x5e: {  	[sflag:s8] =	ssyncadd.s32 $0xFFFFF800  }
0x5f: {  	[tilespmem:s25], [sflag:$0x1] =	stream.indirect.gather [hbm4b:s5+s6], $0x10, s24, s6, $0xb8;
	[tilespmem:$0x5500] =	vst v63  }
0x60: {  	_ =	swait.ge [sflag:s8], $0x800  }
.Ltmp1:
0x61: {  	[sflag:s8] =	ssyncset.done $0x0;
	(pc) =	sbr.rel @p0 .LBB2_1-.Ltmp1, $4  }
0x62: {  	[sflag:s8] =	ssyncadd.s32 $0xFFFFF800  }
0x63: {  	[hbm4b:s26+s2] =	stream.linear.scatter [tilespmem:s7], [sflag:$0x2], $0x5000, $0x38;
	[tilespmem:$0x5500] =	vst v63  }
0x64: {  	_ =	swait.ge [sflag:s3], $0x5000  }
0x65: {  	[sflag:s3] =	ssyncset.done $0x0  }
.LBB2_2:
0x66: {  	[sflag:s3] =	ssyncadd.s32 $0xFFFFB000  }
0x67: {  	_ =	sfence.sel $0x180000  }
0x68: {  	[bflag:$0x0] =	sbarrier.arrive $0xFFFF  }
0x69: {  	p0 =	sne.s32 s0, $0x0;
	_ =	strace $0x90000047  }
0x6a: {  	s0 =	sadd.s32 @!p0 $0x100000, s1;
	[bflag:$0x2] =	sbarrier.arrive $0xFFFF  }
0x6b: {  	[sflag:s0] =	ssyncadd.tile.s32 @!p0 $0x1;
	_ =	shalt  }
.Lfunc_end2:
_tile_overlayer_lowered:
.L_overlay_start_2:
0x6c: {  	(tag) =	ssettag $0x2  }
0x6d: {  	s0 =	rddreg [dreg:$0x0];
	s2 =	stileid.u32  }
0x6e: {  	s1 =	rddreg [dreg:$0x1];
	p0 =	sne.s32 s2, $0x0  }
0x6f: {  	s3 =	rddreg [dreg:$0x2];
	[bflag:$0x3] =	sbarrier.arrive $0xFFFF;
	s2 =	simm.s32 @!p0 $0x1C02  }
0x70: {  	[timem:s3], [sflag:s2] =	dma.local @!p0 [hbm:s0], s1  }
0x71: {  	s0 =	simm.s32 @!p0 $0x2  }
0x72: {  	_ =	swait.ge @!p0 [sflag:s0], s1  }
0x73: {  	s1 =	ssub.s32 @!p0 $0x0, s1;
	[sflag:s0] =	ssyncset.done @!p0 $0x0  }
0x74: {  	[sflag:s0] =	ssyncadd.s32 @!p0 s1  }
0x75: {  	[bflag:$0x3] =	sbarrier.arrive $0xFFFF  }
0x76: {  	_ =	shalt  }

</sc_bundles>
